<compile_context>
chip_gen: v7x
topology: tpu7x:2x2x1
jax: 0.10.2.dev20260603
libtpu: 0.0.44.dev20260713+nightly
codegen_flags: <defaults>
</compile_context>

<pallas_src>
import functools

import jax
import jax.numpy as jnp
from jax import lax
from jax.experimental import pallas as pl
from jax.experimental.pallas import tpu as pltpu
from jax.experimental.pallas import tpu_sc as plsc

B = 4096
L = 50
NN = 20
KV = 32
MEM = 64

NC = 2
NS = 16
NW = NC * NS
PER_W = B // NW
SEQ_CB = 32
SEQ_NCHUNK = PER_W // SEQ_CB
SGL_CB = 128
NROWS_W = (B * NN) // NW
NEIGH_CB = 640
NEIGH_NCHUNK = NROWS_W // NEIGH_CB


@functools.lru_cache(maxsize=1)
def _make_sc_gather():
  mesh = plsc.VectorSubcoreMesh(
      core_axis_name="c", subcore_axis_name="s", num_cores=NC, num_subcores=NS)
  return functools.partial(
      pl.kernel,
      out_type=(
          jax.ShapeDtypeStruct((B, KV), jnp.float32),
          jax.ShapeDtypeStruct((B, KV), jnp.float32),
          jax.ShapeDtypeStruct((B, KV), jnp.float32),
          jax.ShapeDtypeStruct((B, KV), jnp.float32),
          jax.ShapeDtypeStruct((B, KV), jnp.float32),
          jax.ShapeDtypeStruct((B, KV), jnp.float32),
          jax.ShapeDtypeStruct((B * NN, MEM), jnp.float32),
      ),
      mesh=mesh,
      scratch_types=[
          pltpu.VMEM((SGL_CB,), jnp.int32),
          pltpu.VMEM((SGL_CB, KV), jnp.float32),
          pltpu.VMEM((SEQ_CB * L,), jnp.int32),
          pltpu.VMEM((SEQ_CB * L, KV), jnp.float32),
          pltpu.VMEM((SEQ_CB, KV), jnp.float32),
          pltpu.VMEM((NEIGH_CB,), jnp.int32),
          pltpu.VMEM((NEIGH_CB, MEM), jnp.float32),
          pltpu.SemaphoreType.DMA,
      ],
      compiler_params=pltpu.CompilerParams(use_tc_tiling_on_sc=False),
  )(_sc_gather_body)


def _sc_gather_body(age_tab, gen_tab, iid_tab, icat_tab, mem1_tab,
                    age_idx, gen_idx, iid_idx, icat_idx,
                    idseq, cateff, nidx,
                    age_out, gen_out, iid_out, icat_out, sumid_out, sumcat_out,
                    neigh_out,
                    sidx_v, srows_v, qidx_v, qrows_v, qsum_v, nidx_v, nrows_v,
                    sem):
  wid = lax.axis_index("s") * NC + lax.axis_index("c")
  base = wid * PER_W

  for tab, idx_hbm, out_hbm in (
      (age_tab, age_idx, age_out),
      (gen_tab, gen_idx, gen_out),
      (iid_tab, iid_idx, iid_out),
      (icat_tab, icat_idx, icat_out),
  ):
    for c in range(PER_W // SGL_CB):
      off = base + c * SGL_CB
      pltpu.sync_copy(idx_hbm.at[pl.ds(off, SGL_CB)], sidx_v)
      pltpu.async_copy(tab.at[sidx_v], srows_v, sem).wait()
      pltpu.sync_copy(srows_v, out_hbm.at[pl.ds(off, SGL_CB)])

  for tab, idx_hbm, out_hbm in ((iid_tab, idseq, sumid_out),
                                (icat_tab, cateff, sumcat_out)):
    def seq_chunk(c, tab=tab, idx_hbm=idx_hbm, out_hbm=out_hbm):
      roff = base * L + c * (SEQ_CB * L)
      pltpu.sync_copy(idx_hbm.at[pl.ds(roff, SEQ_CB * L)], qidx_v)
      pltpu.async_copy(tab.at[qidx_v], qrows_v, sem).wait()

      def accum_b(b, _):
        r0 = b * L

        def accum_l(l, accs):
          a0, a1 = accs
          return (a0 + qrows_v[r0 + l, pl.ds(0, 16)],
                  a1 + qrows_v[r0 + l, pl.ds(16, 16)])

        z = jnp.zeros((16,), jnp.float32)
        a0, a1 = lax.fori_loop(0, L, accum_l, (z, z), unroll=10)
        qsum_v[b, pl.ds(0, 16)] = a0
        qsum_v[b, pl.ds(16, 16)] = a1
        return 0

      lax.fori_loop(0, SEQ_CB, accum_b, 0)
      pltpu.sync_copy(qsum_v, out_hbm.at[pl.ds(base + c * SEQ_CB, SEQ_CB)])
      return 0

    lax.fori_loop(0, SEQ_NCHUNK, lambda c, _, f=seq_chunk: f(c), 0)

  nbase = wid * NROWS_W

  def neigh_chunk(c, _):
    roff = nbase + c * NEIGH_CB
    pltpu.sync_copy(nidx.at[pl.ds(roff, NEIGH_CB)], nidx_v)
    pltpu.async_copy(mem1_tab.at[nidx_v], nrows_v, sem).wait()
    pltpu.sync_copy(nrows_v, neigh_out.at[pl.ds(roff, NEIGH_CB)])
    return 0

  lax.fori_loop(0, NEIGH_NCHUNK, neigh_chunk, 0)


BS = 256


def _tc_body(idseq_ref, nidt_ref, age_ref, gen_ref, iid_ref, icat_ref,
             sumid_ref, sumcat_ref, neigh_ref,
             wagg_ref, bagg_ref, wp0_ref, bp0_ref, wp1_ref, bp1_ref,
             wp2_ref, bp2_ref, out_ref):
  f32 = jnp.float32
  cnt = jnp.sum((idseq_ref[...] != 0).astype(f32), axis=1)
  den = jnp.maximum(cnt, 1.0)[:, None]
  sm_id = sumid_ref[...] / den
  sm_cat = sumcat_ref[...] / den

  nm = (nidt_ref[...] != 0).astype(f32)
  cntn = jnp.maximum(jnp.sum(nm, axis=0), 1.0)
  W = wagg_ref[...]
  bb = bagg_ref[...]
  acc = jnp.zeros((BS, MEM), f32)
  for n in range(NN):
    h = jnp.tanh(
        jnp.dot(neigh_ref[n], W, preferred_element_type=f32)
        + bb[None, :])
    acc = acc + h * nm[n][:, None]
  gnn = acc / cntn[:, None]

  iid_e = iid_ref[...]
  icat_e = icat_ref[...]
  feat = jnp.concatenate(
      [age_ref[...], gen_ref[...], iid_e, icat_e, sm_id,
       sm_cat, iid_e * sm_id, icat_e * sm_cat, gnn], axis=1)
  h0 = jnp.maximum(
      jnp.dot(feat, wp0_ref[...], preferred_element_type=f32)
      + bp0_ref[...][None, :], 0.0)
  h1 = jnp.maximum(
      jnp.dot(h0, wp1_ref[...], preferred_element_type=f32)
      + bp1_ref[...][None, :], 0.0)
  logit = jnp.dot(h1, wp2_ref[...], preferred_element_type=f32) + bp2_ref[0]
  out_ref[...] = 1.0 / (1.0 + jnp.exp(-logit))


def _tc_call(idseq, nid_t, age_e, gen_e, iid_e, icat_e, sum_id, sum_cat,
             neigh_t, W_agg1, b_agg1, W_p0, b_p0, W_p1, b_p1, W_p2, b_p2):
  nblk = B // BS
  bcast = lambda shape: pl.BlockSpec(shape, lambda i: tuple(0 for _ in shape))
  return pl.pallas_call(
      _tc_body,
      grid=(nblk,),
      in_specs=[
          pl.BlockSpec((BS, L), lambda i: (i, 0)),
          pl.BlockSpec((NN, BS), lambda i: (0, i)),
          pl.BlockSpec((BS, KV), lambda i: (i, 0)),
          pl.BlockSpec((BS, KV), lambda i: (i, 0)),
          pl.BlockSpec((BS, KV), lambda i: (i, 0)),
          pl.BlockSpec((BS, KV), lambda i: (i, 0)),
          pl.BlockSpec((BS, KV), lambda i: (i, 0)),
          pl.BlockSpec((BS, KV), lambda i: (i, 0)),
          pl.BlockSpec((NN, BS, MEM), lambda i: (0, i, 0)),
          bcast((MEM, MEM)),
          bcast((MEM,)),
          bcast((5 * MEM, 256)),
          bcast((256,)),
          bcast((256, 128)),
          bcast((128,)),
          bcast((128, 1)),
          bcast((1,)),
      ],
      out_specs=pl.BlockSpec((BS, 1), lambda i: (i, 0)),
      out_shape=jax.ShapeDtypeStruct((B, 1), jnp.float32),
  )(idseq, nid_t, age_e, gen_e, iid_e, icat_e, sum_id, sum_cat, neigh_t,
    W_agg1, b_agg1, W_p0, b_p0, W_p1, b_p1, W_p2, b_p2)


def kernel(userid, user_age, user_gender, item_id, item_cate, item_id_seq,
           item_cate_seq, neighbor_ids, user_age_table, user_gender_table,
           item_id_table, item_cate_table, user_mem_0, user_mem_1,
           W_agg0, b_agg0, W_agg1, b_agg1,
           W_p0, b_p0, W_p1, b_p1, W_p2, b_p2):
  i32 = jnp.int32
  idseq = item_id_seq.astype(i32)
  cateff = jnp.where(idseq == 0, 0, item_cate_seq.astype(i32))
  nid = neighbor_ids.astype(i32)
  nid_t = nid.T

  (age_e, gen_e, iid_e, icat_e, sum_id, sum_cat, neigh_rows) = _make_sc_gather()(
      user_age_table, user_gender_table, item_id_table, item_cate_table,
      user_mem_1,
      user_age.astype(i32), user_gender.astype(i32),
      item_id.astype(i32), item_cate.astype(i32),
      idseq.reshape(-1), cateff.reshape(-1), nid_t.reshape(-1))

  out = _tc_call(
      idseq, nid_t, age_e, gen_e, iid_e, icat_e, sum_id, sum_cat,
      neigh_rows.reshape(NN, B, MEM),
      W_agg1, b_agg1, W_p0, b_p0, W_p1, b_p1, W_p2, b_p2)
  return out[:, 0]

# --- scband reference (transcript-rebuilt; emitter-appended) ---
"""Pipeline reference for scband-cigar-wo-pn-89026082111522 (READ-ONLY COPY).

The authoritative reference and input builder live on the scoring server;
editing this copy changes nothing except your own understanding.
"""

import jax, jax.numpy as jnp
import numpy as np

B = 4096
L = 50
NN = 20
KV = 32
MEM = 64
V_UID = 100000
V_AGE = 100000
V_GEN = 1000
V_IID = 1000000
V_CAT = 100000


def _table(key, n, d):
    t = jax.random.normal(key, (n, d), dtype=jnp.float32) * (d ** -0.5)
    return t.at[0].set(0.0)  # padding_idx=0


def _lin(key, i, o):
    lim = (6.0 / (i + o)) ** 0.5
    return jax.random.uniform(key, (i, o), dtype=jnp.float32, minval=-lim, maxval=lim)


def setup_inputs(seed: int = 0):
    key = jax.random.key(seed)
    ks = jax.random.split(key, 24)
    inp = {}
    inp["userid"] = jax.random.randint(ks[0], (B,), 0, V_UID)
    inp["user_age"] = jax.random.randint(ks[1], (B,), 0, V_AGE)
    inp["user_gender"] = jax.random.randint(ks[2], (B,), 0, V_GEN)
    inp["item_id"] = jax.random.randint(ks[3], (B,), 0, V_IID)
    inp["item_cate"] = jax.random.randint(ks[4], (B,), 0, V_CAT)
    inp["item_id_seq"] = jax.random.randint(ks[5], (B, L), 0, V_IID)
    inp["item_cate_seq"] = jax.random.randint(ks[6], (B, L), 0, V_CAT)
    inp["neighbor_ids"] = jax.random.randint(ks[7], (B, NN), 0, V_UID)
    inp["user_age_table"] = _table(ks[8], V_AGE, KV)
    inp["user_gender_table"] = _table(ks[9], V_GEN, KV)
    inp["item_id_table"] = _table(ks[10], V_IID, KV)
    inp["item_cate_table"] = _table(ks[11], V_CAT, KV)
    inp["user_mem_0"] = _table(ks[12], V_UID, MEM)
    inp["user_mem_1"] = _table(ks[13], V_UID, MEM)
    inp["W_agg0"] = _lin(ks[14], MEM, MEM)
    inp["b_agg0"] = jnp.zeros((MEM,), jnp.float32)
    inp["W_agg1"] = _lin(ks[15], MEM, MEM)
    inp["b_agg1"] = jnp.zeros((MEM,), jnp.float32)
    IN = 2 * KV + 2 * KV * 3 + MEM  # (n_user + n_item*3)*kv + gnn_out = 320
    inp["W_p0"] = _lin(ks[16], IN, 256)
    inp["b_p0"] = jnp.zeros((256,), jnp.float32)
    inp["W_p1"] = _lin(ks[17], 256, 128)
    inp["b_p1"] = jnp.zeros((128,), jnp.float32)
    inp["W_p2"] = _lin(ks[18], 128, 1)
    inp["b_p2"] = jnp.zeros((1,), jnp.float32)
    return inp


def _mean_pool(x, mask):
    length = jnp.sum(mask, axis=-1, keepdims=True)
    s = jnp.sum(x * mask[..., None], axis=-2)
    return s / jnp.maximum(length, jnp.ones_like(length))


def reference(userid, user_age, user_gender, item_id, item_cate, item_id_seq,
              item_cate_seq, neighbor_ids, user_age_table, user_gender_table,
              item_id_table, item_cate_table, user_mem_0, user_mem_1,
              W_agg0, b_agg0, W_agg1, b_agg1,
              W_p0, b_p0, W_p1, b_p1, W_p2, b_p2):
    user_emb = jnp.concatenate([
        jnp.take(user_age_table, user_age, axis=0),
        jnp.take(user_gender_table, user_gender, axis=0)], axis=-1)
    item_emb = jnp.concatenate([
        jnp.take(item_id_table, item_id, axis=0),
        jnp.take(item_cate_table, item_cate, axis=0)], axis=-1)
    seq_emb = jnp.concatenate([
        jnp.take(item_id_table, item_id_seq, axis=0),
        jnp.take(item_cate_table, item_cate_seq, axis=0)], axis=-1)
    seq_mask = jnp.not_equal(item_id_seq, 0).astype(jnp.float32)
    seq_mean = _mean_pool(seq_emb, seq_mask)
    neigh_mask = jnp.not_equal(neighbor_ids, 0).astype(jnp.float32)
    gnn_output = None
    for tab, W, b in ((user_mem_0, W_agg0, b_agg0), (user_mem_1, W_agg1, b_agg1)):
        neigh_vecs = jnp.take(tab, neighbor_ids, axis=0)  # [B, NN, MEM]
        h = jnp.tanh(neigh_vecs @ W + b)
        gnn_output = _mean_pool(h, neigh_mask)
    feat = jnp.concatenate([user_emb, item_emb, seq_mean, item_emb * seq_mean, gnn_output], axis=-1)
    h = jax.nn.relu(feat @ W_p0 + b_p0)
    h = jax.nn.relu(h @ W_p1 + b_p1)
    logit = h @ W_p2 + b_p2
    return jax.nn.sigmoid(logit[:, 0])

if __name__ == "__main__":
    import jax
    _d = setup_inputs()
    print(jax.jit(kernel)(*tuple(_d.values())))

</pallas_src>

<mosaic_0001>
#map = affine_map<(d0, d1) -> (0, 0)>
#map1 = affine_map<(d0, d1) -> (0)>
module attributes {stable_mosaic.version = 14 : i64} {
  func.func @_sc_gather_body(%arg0: i32, %arg1: i32, %arg2: memref<100000x32xf32, #tpu.memory_space<hbm>>, %arg3: memref<1000x32xf32, #tpu.memory_space<hbm>>, %arg4: memref<1000000x32xf32, #tpu.memory_space<hbm>>, %arg5: memref<100000x32xf32, #tpu.memory_space<hbm>>, %arg6: memref<100000x64xf32, #tpu.memory_space<hbm>>, %arg7: memref<4096xi32, #tpu.memory_space<hbm>>, %arg8: memref<4096xi32, #tpu.memory_space<hbm>>, %arg9: memref<4096xi32, #tpu.memory_space<hbm>>, %arg10: memref<4096xi32, #tpu.memory_space<hbm>>, %arg11: memref<204800xi32, #tpu.memory_space<hbm>>, %arg12: memref<204800xi32, #tpu.memory_space<hbm>>, %arg13: memref<81920xi32, #tpu.memory_space<hbm>>, %arg14: memref<4096x32xf32, #tpu.memory_space<hbm>>, %arg15: memref<4096x32xf32, #tpu.memory_space<hbm>>, %arg16: memref<4096x32xf32, #tpu.memory_space<hbm>>, %arg17: memref<4096x32xf32, #tpu.memory_space<hbm>>, %arg18: memref<4096x32xf32, #tpu.memory_space<hbm>>, %arg19: memref<4096x32xf32, #tpu.memory_space<hbm>>, %arg20: memref<81920x64xf32, #tpu.memory_space<hbm>>, %arg21: memref<128xi32, #tpu.memory_space<vmem>>, %arg22: memref<128x32xf32, #tpu.memory_space<vmem>>, %arg23: memref<1600xi32, #tpu.memory_space<vmem>>, %arg24: memref<1600x32xf32, #tpu.memory_space<vmem>>, %arg25: memref<32x32xf32, #tpu.memory_space<vmem>>, %arg26: memref<640xi32, #tpu.memory_space<vmem>>, %arg27: memref<640x64xf32, #tpu.memory_space<vmem>>, %arg28: memref<!tpu.dma_semaphore, #tpu.memory_space<semaphore_mem>>) attributes {dimension_semantics = [#tpu.dimension_semantics<core_parallel>, #tpu.dimension_semantics<subcore_parallel>], iteration_bounds = array<i64: 2, 16>, scalar_prefetch = 0 : i64, scratch_operands = 8 : i64, tpu.core_type = #tpu.core_type<sc_vector_subcore>, window_params = [{transform_indices = #map}, {transform_indices = #map}, {transform_indices = #map}, {transform_indices = #map}, {transform_indices = #map}, {transform_indices = #map1}, {transform_indices = #map1}, {transform_indices = #map1}, {transform_indices = #map1}, {transform_indices = #map1}, {transform_indices = #map1}, {transform_indices = #map1}, {transform_indices = #map}, {transform_indices = #map}, {transform_indices = #map}, {transform_indices = #map}, {transform_indices = #map}, {transform_indices = #map}, {transform_indices = #map}]} {
    %mul3A = arith.constant 2 : i32
    %mul3A_0 = arith.muli %arg1, %mul3A : i32
    %add3A = arith.addi %mul3A_0, %arg0 : i32
    %mul3A_1 = arith.constant 128 : i32
    %mul3A_2 = arith.muli %add3A, %mul3A_1 : i32
    %add3A_3 = arith.constant 0 : i32
    %add3A_4 = arith.addi %mul3A_2, %add3A_3 : i32
    "tpu.region"() ({
      %run_scoped3A = tpu.sem_alloc : memref<!tpu.dma_semaphore, #tpu.memory_space<semaphore_mem>>
      %dma_start3A_55 = tpu.memref_slice %arg7[%add3A_4] : memref<4096xi32, #tpu.memory_space<hbm>> -> memref<128xi32, #tpu.memory_space<hbm>>
      %dma_start3A_56 = tpu.memref_slice %arg7[%add3A_4] : memref<4096xi32, #tpu.memory_space<hbm>> -> memref<128xi32, #tpu.memory_space<hbm>>
      tpu.enqueue_dma source(%dma_start3A_56 : memref<128xi32, #tpu.memory_space<hbm>>) target(%arg21 : memref<128xi32, #tpu.memory_space<vmem>>) target_semaphore(%run_scoped3A : memref<!tpu.dma_semaphore, #tpu.memory_space<semaphore_mem>>)
      %dma_wait3A_57 = tpu.memref_slice %arg7[%add3A_4] : memref<4096xi32, #tpu.memory_space<hbm>> -> memref<128xi32, #tpu.memory_space<hbm>>
      %dma_wait3A_58 = tpu.memref_slice %arg7[%add3A_4] : memref<4096xi32, #tpu.memory_space<hbm>> -> memref<128xi32, #tpu.memory_space<hbm>>
      tpu.wait_dma2 semaphore(%run_scoped3A : memref<!tpu.dma_semaphore, #tpu.memory_space<semaphore_mem>>) src(%dma_wait3A_58 : memref<128xi32, #tpu.memory_space<hbm>>) dst(%arg21 : memref<128xi32, #tpu.memory_space<vmem>>)
      tpu.yield
    }) : () -> ()
    %dma_start3A = arith.constant 0 : i32
    %dma_start3A_5 = arith.constant 0 : i32
    %dma_start3A_6 = tpu.memref_slice %arg2[%dma_start3A, %dma_start3A_5] : memref<100000x32xf32, #tpu.memory_space<hbm>> -> memref<100000x32xf32, #tpu.memory_space<hbm>>
    tpu.enqueue_indirect_dma source(%dma_start3A_6 : memref<100000x32xf32, #tpu.memory_space<hbm>>) target(%arg22 : memref<128x32xf32, #tpu.memory_space<vmem>>) offsets(%arg21 : memref<128xi32, #tpu.memory_space<vmem>>) semaphore(%arg28 : memref<!tpu.dma_semaphore, #tpu.memory_space<semaphore_mem>>)
    %dma_wait3A = arith.constant 0 : i32
    %dma_wait3A_7 = arith.constant 0 : i32
    %dma_wait3A_8 = tpu.memref_slice %arg2[%dma_wait3A, %dma_wait3A_7] : memref<100000x32xf32, #tpu.memory_space<hbm>> -> memref<100000x32xf32, #tpu.memory_space<hbm>>
    tpu.wait_indirect_dma semaphore(%arg28 : memref<!tpu.dma_semaphore, #tpu.memory_space<semaphore_mem>>) src(%dma_wait3A_8 : memref<100000x32xf32, #tpu.memory_space<hbm>>) dst(%arg22 : memref<128x32xf32, #tpu.memory_space<vmem>>)
    "tpu.region"() ({
      %run_scoped3A = tpu.sem_alloc : memref<!tpu.dma_semaphore, #tpu.memory_space<semaphore_mem>>
      %dma_start3A_55 = arith.constant 0 : i32
      %dma_start3A_56 = tpu.memref_slice %arg14[%add3A_4, %dma_start3A_55] : memref<4096x32xf32, #tpu.memory_space<hbm>> -> memref<128x32xf32, #tpu.memory_space<hbm>>
      %dma_start3A_57 = arith.constant 0 : i32
      %dma_start3A_58 = tpu.memref_slice %arg14[%add3A_4, %dma_start3A_57] : memref<4096x32xf32, #tpu.memory_space<hbm>> -> memref<128x32xf32, #tpu.memory_space<hbm>>
      tpu.enqueue_dma source(%arg22 : memref<128x32xf32, #tpu.memory_space<vmem>>) target(%dma_start3A_58 : memref<128x32xf32, #tpu.memory_space<hbm>>) target_semaphore(%run_scoped3A : memref<!tpu.dma_semaphore, #tpu.memory_space<semaphore_mem>>)
      %dma_wait3A_59 = arith.constant 0 : i32
      %dma_wait3A_60 = tpu.memref_slice %arg14[%add3A_4, %dma_wait3A_59] : memref<4096x32xf32, #tpu.memory_space<hbm>> -> memref<128x32xf32, #tpu.memory_space<hbm>>
      %dma_wait3A_61 = arith.constant 0 : i32
      %dma_wait3A_62 = tpu.memref_slice %arg14[%add3A_4, %dma_wait3A_61] : memref<4096x32xf32, #tpu.memory_space<hbm>> -> memref<128x32xf32, #tpu.memory_space<hbm>>
      tpu.wait_dma2 semaphore(%run_scoped3A : memref<!tpu.dma_semaphore, #tpu.memory_space<semaphore_mem>>) src(%arg22 : memref<128x32xf32, #tpu.memory_space<vmem>>) dst(%dma_wait3A_62 : memref<128x32xf32, #tpu.memory_space<hbm>>)
      tpu.yield
    }) : () -> ()
    %add3A_9 = arith.constant 0 : i32
    %add3A_10 = arith.addi %mul3A_2, %add3A_9 : i32
    "tpu.region"() ({
      %run_scoped3A = tpu.sem_alloc : memref<!tpu.dma_semaphore, #tpu.memory_space<semaphore_mem>>
      %dma_start3A_55 = tpu.memref_slice %arg8[%add3A_10] : memref<4096xi32, #tpu.memory_space<hbm>> -> memref<128xi32, #tpu.memory_space<hbm>>
      %dma_start3A_56 = tpu.memref_slice %arg8[%add3A_10] : memref<4096xi32, #tpu.memory_space<hbm>> -> memref<128xi32, #tpu.memory_space<hbm>>
      tpu.enqueue_dma source(%dma_start3A_56 : memref<128xi32, #tpu.memory_space<hbm>>) target(%arg21 : memref<128xi32, #tpu.memory_space<vmem>>) target_semaphore(%run_scoped3A : memref<!tpu.dma_semaphore, #tpu.memory_space<semaphore_mem>>)
      %dma_wait3A_57 = tpu.memref_slice %arg8[%add3A_10] : memref<4096xi32, #tpu.memory_space<hbm>> -> memref<128xi32, #tpu.memory_space<hbm>>
      %dma_wait3A_58 = tpu.memref_slice %arg8[%add3A_10] : memref<4096xi32, #tpu.memory_space<hbm>> -> memref<128xi32, #tpu.memory_space<hbm>>
      tpu.wait_dma2 semaphore(%run_scoped3A : memref<!tpu.dma_semaphore, #tpu.memory_space<semaphore_mem>>) src(%dma_wait3A_58 : memref<128xi32, #tpu.memory_space<hbm>>) dst(%arg21 : memref<128xi32, #tpu.memory_space<vmem>>)
      tpu.yield
    }) : () -> ()
    %dma_start3A_11 = arith.constant 0 : i32
    %dma_start3A_12 = arith.constant 0 : i32
    %dma_start3A_13 = tpu.memref_slice %arg3[%dma_start3A_11, %dma_start3A_12] : memref<1000x32xf32, #tpu.memory_space<hbm>> -> memref<1000x32xf32, #tpu.memory_space<hbm>>
    tpu.enqueue_indirect_dma source(%dma_start3A_13 : memref<1000x32xf32, #tpu.memory_space<hbm>>) target(%arg22 : memref<128x32xf32, #tpu.memory_space<vmem>>) offsets(%arg21 : memref<128xi32, #tpu.memory_space<vmem>>) semaphore(%arg28 : memref<!tpu.dma_semaphore, #tpu.memory_space<semaphore_mem>>)
    %dma_wait3A_14 = arith.constant 0 : i32
    %dma_wait3A_15 = arith.constant 0 : i32
    %dma_wait3A_16 = tpu.memref_slice %arg3[%dma_wait3A_14, %dma_wait3A_15] : memref<1000x32xf32, #tpu.memory_space<hbm>> -> memref<1000x32xf32, #tpu.memory_space<hbm>>
    tpu.wait_indirect_dma semaphore(%arg28 : memref<!tpu.dma_semaphore, #tpu.memory_space<semaphore_mem>>) src(%dma_wait3A_16 : memref<1000x32xf32, #tpu.memory_space<hbm>>) dst(%arg22 : memref<128x32xf32, #tpu.memory_space<vmem>>)
    "tpu.region"() ({
      %run_scoped3A = tpu.sem_alloc : memref<!tpu.dma_semaphore, #tpu.memory_space<semaphore_mem>>
      %dma_start3A_55 = arith.constant 0 : i32
      %dma_start3A_56 = tpu.memref_slice %arg15[%add3A_10, %dma_start3A_55] : memref<4096x32xf32, #tpu.memory_space<hbm>> -> memref<128x32xf32, #tpu.memory_space<hbm>>
      %dma_start3A_57 = arith.constant 0 : i32
      %dma_start3A_58 = tpu.memref_slice %arg15[%add3A_10, %dma_start3A_57] : memref<4096x32xf32, #tpu.memory_space<hbm>> -> memref<128x32xf32, #tpu.memory_space<hbm>>
      tpu.enqueue_dma source(%arg22 : memref<128x32xf32, #tpu.memory_space<vmem>>) target(%dma_start3A_58 : memref<128x32xf32, #tpu.memory_space<hbm>>) target_semaphore(%run_scoped3A : memref<!tpu.dma_semaphore, #tpu.memory_space<semaphore_mem>>)
      %dma_wait3A_59 = arith.constant 0 : i32
      %dma_wait3A_60 = tpu.memref_slice %arg15[%add3A_10, %dma_wait3A_59] : memref<4096x32xf32, #tpu.memory_space<hbm>> -> memref<128x32xf32, #tpu.memory_space<hbm>>
      %dma_wait3A_61 = arith.constant 0 : i32
      %dma_wait3A_62 = tpu.memref_slice %arg15[%add3A_10, %dma_wait3A_61] : memref<4096x32xf32, #tpu.memory_space<hbm>> -> memref<128x32xf32, #tpu.memory_space<hbm>>
      tpu.wait_dma2 semaphore(%run_scoped3A : memref<!tpu.dma_semaphore, #tpu.memory_space<semaphore_mem>>) src(%arg22 : memref<128x32xf32, #tpu.memory_space<vmem>>) dst(%dma_wait3A_62 : memref<128x32xf32, #tpu.memory_space<hbm>>)
      tpu.yield
    }) : () -> ()
    %add3A_17 = arith.constant 0 : i32
    %add3A_18 = arith.addi %mul3A_2, %add3A_17 : i32
    "tpu.region"() ({
      %run_scoped3A = tpu.sem_alloc : memref<!tpu.dma_semaphore, #tpu.memory_space<semaphore_mem>>
      %dma_start3A_55 = tpu.memref_slice %arg9[%add3A_18] : memref<4096xi32, #tpu.memory_space<hbm>> -> memref<128xi32, #tpu.memory_space<hbm>>
      %dma_start3A_56 = tpu.memref_slice %arg9[%add3A_18] : memref<4096xi32, #tpu.memory_space<hbm>> -> memref<128xi32, #tpu.memory_space<hbm>>
      tpu.enqueue_dma source(%dma_start3A_56 : memref<128xi32, #tpu.memory_space<hbm>>) target(%arg21 : memref<128xi32, #tpu.memory_space<vmem>>) target_semaphore(%run_scoped3A : memref<!tpu.dma_semaphore, #tpu.memory_space<semaphore_mem>>)
      %dma_wait3A_57 = tpu.memref_slice %arg9[%add3A_18] : memref<4096xi32, #tpu.memory_space<hbm>> -> memref<128xi32, #tpu.memory_space<hbm>>
      %dma_wait3A_58 = tpu.memref_slice %arg9[%add3A_18] : memref<4096xi32, #tpu.memory_space<hbm>> -> memref<128xi32, #tpu.memory_space<hbm>>
      tpu.wait_dma2 semaphore(%run_scoped3A : memref<!tpu.dma_semaphore, #tpu.memory_space<semaphore_mem>>) src(%dma_wait3A_58 : memref<128xi32, #tpu.memory_space<hbm>>) dst(%arg21 : memref<128xi32, #tpu.memory_space<vmem>>)
      tpu.yield
    }) : () -> ()
    %dma_start3A_19 = arith.constant 0 : i32
    %dma_start3A_20 = arith.constant 0 : i32
    %dma_start3A_21 = tpu.memref_slice %arg4[%dma_start3A_19, %dma_start3A_20] : memref<1000000x32xf32, #tpu.memory_space<hbm>> -> memref<1000000x32xf32, #tpu.memory_space<hbm>>
    tpu.enqueue_indirect_dma source(%dma_start3A_21 : memref<1000000x32xf32, #tpu.memory_space<hbm>>) target(%arg22 : memref<128x32xf32, #tpu.memory_space<vmem>>) offsets(%arg21 : memref<128xi32, #tpu.memory_space<vmem>>) semaphore(%arg28 : memref<!tpu.dma_semaphore, #tpu.memory_space<semaphore_mem>>)
    %dma_wait3A_22 = arith.constant 0 : i32
    %dma_wait3A_23 = arith.constant 0 : i32
    %dma_wait3A_24 = tpu.memref_slice %arg4[%dma_wait3A_22, %dma_wait3A_23] : memref<1000000x32xf32, #tpu.memory_space<hbm>> -> memref<1000000x32xf32, #tpu.memory_space<hbm>>
    tpu.wait_indirect_dma semaphore(%arg28 : memref<!tpu.dma_semaphore, #tpu.memory_space<semaphore_mem>>) src(%dma_wait3A_24 : memref<1000000x32xf32, #tpu.memory_space<hbm>>) dst(%arg22 : memref<128x32xf32, #tpu.memory_space<vmem>>)
    "tpu.region"() ({
      %run_scoped3A = tpu.sem_alloc : memref<!tpu.dma_semaphore, #tpu.memory_space<semaphore_mem>>
      %dma_start3A_55 = arith.constant 0 : i32
      %dma_start3A_56 = tpu.memref_slice %arg16[%add3A_18, %dma_start3A_55] : memref<4096x32xf32, #tpu.memory_space<hbm>> -> memref<128x32xf32, #tpu.memory_space<hbm>>
      %dma_start3A_57 = arith.constant 0 : i32
      %dma_start3A_58 = tpu.memref_slice %arg16[%add3A_18, %dma_start3A_57] : memref<4096x32xf32, #tpu.memory_space<hbm>> -> memref<128x32xf32, #tpu.memory_space<hbm>>
      tpu.enqueue_dma source(%arg22 : memref<128x32xf32, #tpu.memory_space<vmem>>) target(%dma_start3A_58 : memref<128x32xf32, #tpu.memory_space<hbm>>) target_semaphore(%run_scoped3A : memref<!tpu.dma_semaphore, #tpu.memory_space<semaphore_mem>>)
      %dma_wait3A_59 = arith.constant 0 : i32
      %dma_wait3A_60 = tpu.memref_slice %arg16[%add3A_18, %dma_wait3A_59] : memref<4096x32xf32, #tpu.memory_space<hbm>> -> memref<128x32xf32, #tpu.memory_space<hbm>>
      %dma_wait3A_61 = arith.constant 0 : i32
      %dma_wait3A_62 = tpu.memref_slice %arg16[%add3A_18, %dma_wait3A_61] : memref<4096x32xf32, #tpu.memory_space<hbm>> -> memref<128x32xf32, #tpu.memory_space<hbm>>
      tpu.wait_dma2 semaphore(%run_scoped3A : memref<!tpu.dma_semaphore, #tpu.memory_space<semaphore_mem>>) src(%arg22 : memref<128x32xf32, #tpu.memory_space<vmem>>) dst(%dma_wait3A_62 : memref<128x32xf32, #tpu.memory_space<hbm>>)
      tpu.yield
    }) : () -> ()
    %add3A_25 = arith.constant 0 : i32
    %add3A_26 = arith.addi %mul3A_2, %add3A_25 : i32
    "tpu.region"() ({
      %run_scoped3A = tpu.sem_alloc : memref<!tpu.dma_semaphore, #tpu.memory_space<semaphore_mem>>
      %dma_start3A_55 = tpu.memref_slice %arg10[%add3A_26] : memref<4096xi32, #tpu.memory_space<hbm>> -> memref<128xi32, #tpu.memory_space<hbm>>
      %dma_start3A_56 = tpu.memref_slice %arg10[%add3A_26] : memref<4096xi32, #tpu.memory_space<hbm>> -> memref<128xi32, #tpu.memory_space<hbm>>
      tpu.enqueue_dma source(%dma_start3A_56 : memref<128xi32, #tpu.memory_space<hbm>>) target(%arg21 : memref<128xi32, #tpu.memory_space<vmem>>) target_semaphore(%run_scoped3A : memref<!tpu.dma_semaphore, #tpu.memory_space<semaphore_mem>>)
      %dma_wait3A_57 = tpu.memref_slice %arg10[%add3A_26] : memref<4096xi32, #tpu.memory_space<hbm>> -> memref<128xi32, #tpu.memory_space<hbm>>
      %dma_wait3A_58 = tpu.memref_slice %arg10[%add3A_26] : memref<4096xi32, #tpu.memory_space<hbm>> -> memref<128xi32, #tpu.memory_space<hbm>>
      tpu.wait_dma2 semaphore(%run_scoped3A : memref<!tpu.dma_semaphore, #tpu.memory_space<semaphore_mem>>) src(%dma_wait3A_58 : memref<128xi32, #tpu.memory_space<hbm>>) dst(%arg21 : memref<128xi32, #tpu.memory_space<vmem>>)
      tpu.yield
    }) : () -> ()
    %dma_start3A_27 = arith.constant 0 : i32
    %dma_start3A_28 = arith.constant 0 : i32
    %dma_start3A_29 = tpu.memref_slice %arg5[%dma_start3A_27, %dma_start3A_28] : memref<100000x32xf32, #tpu.memory_space<hbm>> -> memref<100000x32xf32, #tpu.memory_space<hbm>>
    tpu.enqueue_indirect_dma source(%dma_start3A_29 : memref<100000x32xf32, #tpu.memory_space<hbm>>) target(%arg22 : memref<128x32xf32, #tpu.memory_space<vmem>>) offsets(%arg21 : memref<128xi32, #tpu.memory_space<vmem>>) semaphore(%arg28 : memref<!tpu.dma_semaphore, #tpu.memory_space<semaphore_mem>>)
    %dma_wait3A_30 = arith.constant 0 : i32
    %dma_wait3A_31 = arith.constant 0 : i32
    %dma_wait3A_32 = tpu.memref_slice %arg5[%dma_wait3A_30, %dma_wait3A_31] : memref<100000x32xf32, #tpu.memory_space<hbm>> -> memref<100000x32xf32, #tpu.memory_space<hbm>>
    tpu.wait_indirect_dma semaphore(%arg28 : memref<!tpu.dma_semaphore, #tpu.memory_space<semaphore_mem>>) src(%dma_wait3A_32 : memref<100000x32xf32, #tpu.memory_space<hbm>>) dst(%arg22 : memref<128x32xf32, #tpu.memory_space<vmem>>)
    "tpu.region"() ({
      %run_scoped3A = tpu.sem_alloc : memref<!tpu.dma_semaphore, #tpu.memory_space<semaphore_mem>>
      %dma_start3A_55 = arith.constant 0 : i32
      %dma_start3A_56 = tpu.memref_slice %arg17[%add3A_26, %dma_start3A_55] : memref<4096x32xf32, #tpu.memory_space<hbm>> -> memref<128x32xf32, #tpu.memory_space<hbm>>
      %dma_start3A_57 = arith.constant 0 : i32
      %dma_start3A_58 = tpu.memref_slice %arg17[%add3A_26, %dma_start3A_57] : memref<4096x32xf32, #tpu.memory_space<hbm>> -> memref<128x32xf32, #tpu.memory_space<hbm>>
      tpu.enqueue_dma source(%arg22 : memref<128x32xf32, #tpu.memory_space<vmem>>) target(%dma_start3A_58 : memref<128x32xf32, #tpu.memory_space<hbm>>) target_semaphore(%run_scoped3A : memref<!tpu.dma_semaphore, #tpu.memory_space<semaphore_mem>>)
      %dma_wait3A_59 = arith.constant 0 : i32
      %dma_wait3A_60 = tpu.memref_slice %arg17[%add3A_26, %dma_wait3A_59] : memref<4096x32xf32, #tpu.memory_space<hbm>> -> memref<128x32xf32, #tpu.memory_space<hbm>>
      %dma_wait3A_61 = arith.constant 0 : i32
      %dma_wait3A_62 = tpu.memref_slice %arg17[%add3A_26, %dma_wait3A_61] : memref<4096x32xf32, #tpu.memory_space<hbm>> -> memref<128x32xf32, #tpu.memory_space<hbm>>
      tpu.wait_dma2 semaphore(%run_scoped3A : memref<!tpu.dma_semaphore, #tpu.memory_space<semaphore_mem>>) src(%arg22 : memref<128x32xf32, #tpu.memory_space<vmem>>) dst(%dma_wait3A_62 : memref<128x32xf32, #tpu.memory_space<hbm>>)
      tpu.yield
    }) : () -> ()
    %scan3A = arith.constant 0 : i32
    %scan3A_33 = arith.constant 0 : i32
    %scan3A_34 = arith.constant 4 : i32
    %scan3A_35 = arith.addi %scan3A_33, %scan3A_34 : i32
    %scan3A_36 = arith.constant 1 : i32
    %scan3A_37 = scf.for %scan3A_55 = %scan3A_33 to %scan3A_35 step %scan3A_36 iter_args(%scan3A_56 = %scan3A) -> (i32)  : i32 {
      %mul3A_57 = arith.constant 50 : i32
      %mul3A_58 = arith.muli %mul3A_2, %mul3A_57 : i32
      %mul3A_59 = arith.constant 1600 : i32
      %mul3A_60 = arith.muli %scan3A_55, %mul3A_59 : i32
      %add3A_61 = arith.addi %mul3A_58, %mul3A_60 : i32
      "tpu.region"() ({
        %run_scoped3A = tpu.sem_alloc : memref<!tpu.dma_semaphore, #tpu.memory_space<semaphore_mem>>
        %dma_start3A_79 = tpu.memref_slice %arg11[%add3A_61] : memref<204800xi32, #tpu.memory_space<hbm>> -> memref<1600xi32, #tpu.memory_space<hbm>>
        %dma_start3A_80 = tpu.memref_slice %arg11[%add3A_61] : memref<204800xi32, #tpu.memory_space<hbm>> -> memref<1600xi32, #tpu.memory_space<hbm>>
        tpu.enqueue_dma source(%dma_start3A_80 : memref<1600xi32, #tpu.memory_space<hbm>>) target(%arg23 : memref<1600xi32, #tpu.memory_space<vmem>>) target_semaphore(%run_scoped3A : memref<!tpu.dma_semaphore, #tpu.memory_space<semaphore_mem>>)
        %dma_wait3A_81 = tpu.memref_slice %arg11[%add3A_61] : memref<204800xi32, #tpu.memory_space<hbm>> -> memref<1600xi32, #tpu.memory_space<hbm>>
        %dma_wait3A_82 = tpu.memref_slice %arg11[%add3A_61] : memref<204800xi32, #tpu.memory_space<hbm>> -> memref<1600xi32, #tpu.memory_space<hbm>>
        tpu.wait_dma2 semaphore(%run_scoped3A : memref<!tpu.dma_semaphore, #tpu.memory_space<semaphore_mem>>) src(%dma_wait3A_82 : memref<1600xi32, #tpu.memory_space<hbm>>) dst(%arg23 : memref<1600xi32, #tpu.memory_space<vmem>>)
        tpu.yield
      }) : () -> ()
      %dma_start3A_62 = arith.constant 0 : i32
      %dma_start3A_63 = arith.constant 0 : i32
      %dma_start3A_64 = tpu.memref_slice %arg4[%dma_start3A_62, %dma_start3A_63] : memref<1000000x32xf32, #tpu.memory_space<hbm>> -> memref<1000000x32xf32, #tpu.memory_space<hbm>>
      tpu.enqueue_indirect_dma source(%dma_start3A_64 : memref<1000000x32xf32, #tpu.memory_space<hbm>>) target(%arg24 : memref<1600x32xf32, #tpu.memory_space<vmem>>) offsets(%arg23 : memref<1600xi32, #tpu.memory_space<vmem>>) semaphore(%arg28 : memref<!tpu.dma_semaphore, #tpu.memory_space<semaphore_mem>>)
      %dma_wait3A_65 = arith.constant 0 : i32
      %dma_wait3A_66 = arith.constant 0 : i32
      %dma_wait3A_67 = tpu.memref_slice %arg4[%dma_wait3A_65, %dma_wait3A_66] : memref<1000000x32xf32, #tpu.memory_space<hbm>> -> memref<1000000x32xf32, #tpu.memory_space<hbm>>
      tpu.wait_indirect_dma semaphore(%arg28 : memref<!tpu.dma_semaphore, #tpu.memory_space<semaphore_mem>>) src(%dma_wait3A_67 : memref<1000000x32xf32, #tpu.memory_space<hbm>>) dst(%arg24 : memref<1600x32xf32, #tpu.memory_space<vmem>>)
      %scan3A_68 = arith.constant 0 : i32
      %scan3A_69 = arith.constant 0 : i32
      %scan3A_70 = arith.constant 32 : i32
      %scan3A_71 = arith.addi %scan3A_69, %scan3A_70 : i32
      %scan3A_72 = arith.constant 1 : i32
      %scan3A_73 = scf.for %scan3A_79 = %scan3A_69 to %scan3A_71 step %scan3A_72 iter_args(%scan3A_80 = %scan3A_68) -> (i32)  : i32 {
        %mul3A_81 = arith.constant 50 : i32
        %mul3A_82 = arith.muli %scan3A_79, %mul3A_81 : i32
        %broadcast_in_dim3A = arith.constant 0.000000e+00 : f32
        %broadcast_in_dim3A_83 = vector.broadcast %broadcast_in_dim3A : f32 to vector<16xf32>
        %scan3A_84 = arith.constant 0 : i32
        %scan3A_85 = arith.constant 50 : i32
        %scan3A_86 = arith.addi %scan3A_84, %scan3A_85 : i32
        %scan3A_87 = arith.constant 10 : i32
        %scan3A_88:2 = scf.for %scan3A_100 = %scan3A_84 to %scan3A_86 step %scan3A_87 iter_args(%scan3A_101 = %broadcast_in_dim3A_83, %scan3A_102 = %broadcast_in_dim3A_83) -> (vector<16xf32>, vector<16xf32>)  : i32 {
          %add3A_103 = arith.addi %mul3A_82, %scan3A_100 : i32
          %get3A = arith.index_cast %add3A_103 : i32 to index
          %get3A_104 = arith.constant 0 : index
          %get3A_105 = tpu.vector_load %arg24[%get3A, %get3A_104] {strides = array<i32>} : memref<1600x32xf32, #tpu.memory_space<vmem>>, vector<1x16xf32>,
          %get3A_106 = vector.shape_cast %get3A_105 : vector<1x16xf32> to vector<16xf32>
          %add3A_107 = arith.addf %scan3A_101, %get3A_106 : vector<16xf32>
          %add3A_108 = arith.addi %mul3A_82, %scan3A_100 : i32
          %get3A_109 = arith.index_cast %add3A_108 : i32 to index
          %get3A_110 = arith.constant 16 : index
          %get3A_111 = tpu.vector_load %arg24[%get3A_109, %get3A_110] {strides = array<i32>} : memref<1600x32xf32, #tpu.memory_space<vmem>>, vector<1x16xf32>,
          %get3A_112 = vector.shape_cast %get3A_111 : vector<1x16xf32> to vector<16xf32>
          %add3A_113 = arith.addf %scan3A_102, %get3A_112 : vector<16xf32>
          %scan3A_114 = arith.constant 1 : i32
          %scan3A_115 = arith.addi %scan3A_100, %scan3A_114 : i32
          %add3A_116 = arith.addi %mul3A_82, %scan3A_115 : i32
          %get3A_117 = arith.index_cast %add3A_116 : i32 to index
          %get3A_118 = arith.constant 0 : index
          %get3A_119 = tpu.vector_load %arg24[%get3A_117, %get3A_118] {strides = array<i32>} : memref<1600x32xf32, #tpu.memory_space<vmem>>, vector<1x16xf32>,
          %get3A_120 = vector.shape_cast %get3A_119 : vector<1x16xf32> to vector<16xf32>
          %add3A_121 = arith.addf %add3A_107, %get3A_120 : vector<16xf32>
          %add3A_122 = arith.addi %mul3A_82, %scan3A_115 : i32
          %get3A_123 = arith.index_cast %add3A_122 : i32 to index
          %get3A_124 = arith.constant 16 : index
          %get3A_125 = tpu.vector_load %arg24[%get3A_123, %get3A_124] {strides = array<i32>} : memref<1600x32xf32, #tpu.memory_space<vmem>>, vector<1x16xf32>,
          %get3A_126 = vector.shape_cast %get3A_125 : vector<1x16xf32> to vector<16xf32>
          %add3A_127 = arith.addf %add3A_113, %get3A_126 : vector<16xf32>
          %scan3A_128 = arith.constant 2 : i32
          %scan3A_129 = arith.addi %scan3A_100, %scan3A_128 : i32
          %add3A_130 = arith.addi %mul3A_82, %scan3A_129 : i32
          %get3A_131 = arith.index_cast %add3A_130 : i32 to index
          %get3A_132 = arith.constant 0 : index
          %get3A_133 = tpu.vector_load %arg24[%get3A_131, %get3A_132] {strides = array<i32>} : memref<1600x32xf32, #tpu.memory_space<vmem>>, vector<1x16xf32>,
          %get3A_134 = vector.shape_cast %get3A_133 : vector<1x16xf32> to vector<16xf32>
          %add3A_135 = arith.addf %add3A_121, %get3A_134 : vector<16xf32>
          %add3A_136 = arith.addi %mul3A_82, %scan3A_129 : i32
          %get3A_137 = arith.index_cast %add3A_136 : i32 to index
          %get3A_138 = arith.constant 16 : index
          %get3A_139 = tpu.vector_load %arg24[%get3A_137, %get3A_138] {strides = array<i32>} : memref<1600x32xf32, #tpu.memory_space<vmem>>, vector<1x16xf32>,
          %get3A_140 = vector.shape_cast %get3A_139 : vector<1x16xf32> to vector<16xf32>
          %add3A_141 = arith.addf %add3A_127, %get3A_140 : vector<16xf32>
          %scan3A_142 = arith.constant 3 : i32
          %scan3A_143 = arith.addi %scan3A_100, %scan3A_142 : i32
          %add3A_144 = arith.addi %mul3A_82, %scan3A_143 : i32
          %get3A_145 = arith.index_cast %add3A_144 : i32 to index
          %get3A_146 = arith.constant 0 : index
          %get3A_147 = tpu.vector_load %arg24[%get3A_145, %get3A_146] {strides = array<i32>} : memref<1600x32xf32, #tpu.memory_space<vmem>>, vector<1x16xf32>,
          %get3A_148 = vector.shape_cast %get3A_147 : vector<1x16xf32> to vector<16xf32>
          %add3A_149 = arith.addf %add3A_135, %get3A_148 : vector<16xf32>
          %add3A_150 = arith.addi %mul3A_82, %scan3A_143 : i32
          %get3A_151 = arith.index_cast %add3A_150 : i32 to index
          %get3A_152 = arith.constant 16 : index
          %get3A_153 = tpu.vector_load %arg24[%get3A_151, %get3A_152] {strides = array<i32>} : memref<1600x32xf32, #tpu.memory_space<vmem>>, vector<1x16xf32>,
          %get3A_154 = vector.shape_cast %get3A_153 : vector<1x16xf32> to vector<16xf32>
          %add3A_155 = arith.addf %add3A_141, %get3A_154 : vector<16xf32>
          %scan3A_156 = arith.constant 4 : i32
          %scan3A_157 = arith.addi %scan3A_100, %scan3A_156 : i32
          %add3A_158 = arith.addi %mul3A_82, %scan3A_157 : i32
          %get3A_159 = arith.index_cast %add3A_158 : i32 to index
          %get3A_160 = arith.constant 0 : index
          %get3A_161 = tpu.vector_load %arg24[%get3A_159, %get3A_160] {strides = array<i32>} : memref<1600x32xf32, #tpu.memory_space<vmem>>, vector<1x16xf32>,
          %get3A_162 = vector.shape_cast %get3A_161 : vector<1x16xf32> to vector<16xf32>
          %add3A_163 = arith.addf %add3A_149, %get3A_162 : vector<16xf32>
          %add3A_164 = arith.addi %mul3A_82, %scan3A_157 : i32
          %get3A_165 = arith.index_cast %add3A_164 : i32 to index
          %get3A_166 = arith.constant 16 : index
          %get3A_167 = tpu.vector_load %arg24[%get3A_165, %get3A_166] {strides = array<i32>} : memref<1600x32xf32, #tpu.memory_space<vmem>>, vector<1x16xf32>,
          %get3A_168 = vector.shape_cast %get3A_167 : vector<1x16xf32> to vector<16xf32>
          %add3A_169 = arith.addf %add3A_155, %get3A_168 : vector<16xf32>
          %scan3A_170 = arith.constant 5 : i32
          %scan3A_171 = arith.addi %scan3A_100, %scan3A_170 : i32
          %add3A_172 = arith.addi %mul3A_82, %scan3A_171 : i32
          %get3A_173 = arith.index_cast %add3A_172 : i32 to index
          %get3A_174 = arith.constant 0 : index
          %get3A_175 = tpu.vector_load %arg24[%get3A_173, %get3A_174] {strides = array<i32>} : memref<1600x32xf32, #tpu.memory_space<vmem>>, vector<1x16xf32>,
          %get3A_176 = vector.shape_cast %get3A_175 : vector<1x16xf32> to vector<16xf32>
          %add3A_177 = arith.addf %add3A_163, %get3A_176 : vector<16xf32>
          %add3A_178 = arith.addi %mul3A_82, %scan3A_171 : i32
          %get3A_179 = arith.index_cast %add3A_178 : i32 to index
          %get3A_180 = arith.constant 16 : index
          %get3A_181 = tpu.vector_load %arg24[%get3A_179, %get3A_180] {strides = array<i32>} : memref<1600x32xf32, #tpu.memory_space<vmem>>, vector<1x16xf32>,
          %get3A_182 = vector.shape_cast %get3A_181 : vector<1x16xf32> to vector<16xf32>
          %add3A_183 = arith.addf %add3A_169, %get3A_182 : vector<16xf32>
          %scan3A_184 = arith.constant 6 : i32
          %scan3A_185 = arith.addi %scan3A_100, %scan3A_184 : i32
          %add3A_186 = arith.addi %mul3A_82, %scan3A_185 : i32
          %get3A_187 = arith.index_cast %add3A_186 : i32 to index
          %get3A_188 = arith.constant 0 : index
          %get3A_189 = tpu.vector_load %arg24[%get3A_187, %get3A_188] {strides = array<i32>} : memref<1600x32xf32, #tpu.memory_space<vmem>>, vector<1x16xf32>,
          %get3A_190 = vector.shape_cast %get3A_189 : vector<1x16xf32> to vector<16xf32>
          %add3A_191 = arith.addf %add3A_177, %get3A_190 : vector<16xf32>
          %add3A_192 = arith.addi %mul3A_82, %scan3A_185 : i32
          %get3A_193 = arith.index_cast %add3A_192 : i32 to index
          %get3A_194 = arith.constant 16 : index
          %get3A_195 = tpu.vector_load %arg24[%get3A_193, %get3A_194] {strides = array<i32>} : memref<1600x32xf32, #tpu.memory_space<vmem>>, vector<1x16xf32>,
          %get3A_196 = vector.shape_cast %get3A_195 : vector<1x16xf32> to vector<16xf32>
          %add3A_197 = arith.addf %add3A_183, %get3A_196 : vector<16xf32>
          %scan3A_198 = arith.constant 7 : i32
          %scan3A_199 = arith.addi %scan3A_100, %scan3A_198 : i32
          %add3A_200 = arith.addi %mul3A_82, %scan3A_199 : i32
          %get3A_201 = arith.index_cast %add3A_200 : i32 to index
          %get3A_202 = arith.constant 0 : index
          %get3A_203 = tpu.vector_load %arg24[%get3A_201, %get3A_202] {strides = array<i32>} : memref<1600x32xf32, #tpu.memory_space<vmem>>, vector<1x16xf32>,
          %get3A_204 = vector.shape_cast %get3A_203 : vector<1x16xf32> to vector<16xf32>
          %add3A_205 = arith.addf %add3A_191, %get3A_204 : vector<16xf32>
          %add3A_206 = arith.addi %mul3A_82, %scan3A_199 : i32
          %get3A_207 = arith.index_cast %add3A_206 : i32 to index
          %get3A_208 = arith.constant 16 : index
          %get3A_209 = tpu.vector_load %arg24[%get3A_207, %get3A_208] {strides = array<i32>} : memref<1600x32xf32, #tpu.memory_space<vmem>>, vector<1x16xf32>,
          %get3A_210 = vector.shape_cast %get3A_209 : vector<1x16xf32> to vector<16xf32>
          %add3A_211 = arith.addf %add3A_197, %get3A_210 : vector<16xf32>
          %scan3A_212 = arith.constant 8 : i32
          %scan3A_213 = arith.addi %scan3A_100, %scan3A_212 : i32
          %add3A_214 = arith.addi %mul3A_82, %scan3A_213 : i32
          %get3A_215 = arith.index_cast %add3A_214 : i32 to index
          %get3A_216 = arith.constant 0 : index
          %get3A_217 = tpu.vector_load %arg24[%get3A_215, %get3A_216] {strides = array<i32>} : memref<1600x32xf32, #tpu.memory_space<vmem>>, vector<1x16xf32>,
          %get3A_218 = vector.shape_cast %get3A_217 : vector<1x16xf32> to vector<16xf32>
          %add3A_219 = arith.addf %add3A_205, %get3A_218 : vector<16xf32>
          %add3A_220 = arith.addi %mul3A_82, %scan3A_213 : i32
          %get3A_221 = arith.index_cast %add3A_220 : i32 to index
          %get3A_222 = arith.constant 16 : index
          %get3A_223 = tpu.vector_load %arg24[%get3A_221, %get3A_222] {strides = array<i32>} : memref<1600x32xf32, #tpu.memory_space<vmem>>, vector<1x16xf32>,
          %get3A_224 = vector.shape_cast %get3A_223 : vector<1x16xf32> to vector<16xf32>
          %add3A_225 = arith.addf %add3A_211, %get3A_224 : vector<16xf32>
          %scan3A_226 = arith.constant 9 : i32
          %scan3A_227 = arith.addi %scan3A_100, %scan3A_226 : i32
          %add3A_228 = arith.addi %mul3A_82, %scan3A_227 : i32
          %get3A_229 = arith.index_cast %add3A_228 : i32 to index
          %get3A_230 = arith.constant 0 : index
          %get3A_231 = tpu.vector_load %arg24[%get3A_229, %get3A_230] {strides = array<i32>} : memref<1600x32xf32, #tpu.memory_space<vmem>>, vector<1x16xf32>,
          %get3A_232 = vector.shape_cast %get3A_231 : vector<1x16xf32> to vector<16xf32>
          %add3A_233 = arith.addf %add3A_219, %get3A_232 : vector<16xf32>
          %add3A_234 = arith.addi %mul3A_82, %scan3A_227 : i32
          %get3A_235 = arith.index_cast %add3A_234 : i32 to index
          %get3A_236 = arith.constant 16 : index
          %get3A_237 = tpu.vector_load %arg24[%get3A_235, %get3A_236] {strides = array<i32>} : memref<1600x32xf32, #tpu.memory_space<vmem>>, vector<1x16xf32>,
          %get3A_238 = vector.shape_cast %get3A_237 : vector<1x16xf32> to vector<16xf32>
          %add3A_239 = arith.addf %add3A_225, %get3A_238 : vector<16xf32>
          scf.yield %add3A_233, %add3A_239 : vector<16xf32>, vector<16xf32>
        }
        %scan3A_89 = arith.constant 50 : i32
        %swap3A = arith.index_cast %scan3A_79 : i32 to index
        %swap3A_90 = arith.constant 0 : index
        %swap3A_91 = tpu.vector_load %arg25[%swap3A, %swap3A_90] {strides = array<i32>} : memref<32x32xf32, #tpu.memory_space<vmem>>, vector<1x16xf32>,
        %swap3A_92 = vector.shape_cast %swap3A_91 : vector<1x16xf32> to vector<16xf32>
        %swap3A_93 = vector.shape_cast %scan3A_88#0 : vector<16xf32> to vector<1x16xf32>
        tpu.vector_store %arg25[%swap3A, %swap3A_90], %swap3A_93 {strides = array<i32>} : memref<32x32xf32, #tpu.memory_space<vmem>>, vector<1x16xf32>,
        %swap3A_94 = arith.index_cast %scan3A_79 : i32 to index
        %swap3A_95 = arith.constant 16 : index
        %swap3A_96 = tpu.vector_load %arg25[%swap3A_94, %swap3A_95] {strides = array<i32>} : memref<32x32xf32, #tpu.memory_space<vmem>>, vector<1x16xf32>,
        %swap3A_97 = vector.shape_cast %swap3A_96 : vector<1x16xf32> to vector<16xf32>
        %swap3A_98 = vector.shape_cast %scan3A_88#1 : vector<16xf32> to vector<1x16xf32>
        tpu.vector_store %arg25[%swap3A_94, %swap3A_95], %swap3A_98 {strides = array<i32>} : memref<32x32xf32, #tpu.memory_space<vmem>>, vector<1x16xf32>,
        %scan3A_99 = arith.constant 0 : i32
        scf.yield %scan3A_99 : i32
      }
      %scan3A_74 = arith.constant 32 : i32
      %mul3A_75 = arith.constant 32 : i32
      %mul3A_76 = arith.muli %scan3A_55, %mul3A_75 : i32
      %add3A_77 = arith.addi %mul3A_2, %mul3A_76 : i32
      "tpu.region"() ({
        %run_scoped3A = tpu.sem_alloc : memref<!tpu.dma_semaphore, #tpu.memory_space<semaphore_mem>>
        %dma_start3A_79 = arith.constant 0 : i32
        %dma_start3A_80 = tpu.memref_slice %arg18[%add3A_77, %dma_start3A_79] : memref<4096x32xf32, #tpu.memory_space<hbm>> -> memref<32x32xf32, #tpu.memory_space<hbm>>
        %dma_start3A_81 = arith.constant 0 : i32
        %dma_start3A_82 = tpu.memref_slice %arg18[%add3A_77, %dma_start3A_81] : memref<4096x32xf32, #tpu.memory_space<hbm>> -> memref<32x32xf32, #tpu.memory_space<hbm>>
        tpu.enqueue_dma source(%arg25 : memref<32x32xf32, #tpu.memory_space<vmem>>) target(%dma_start3A_82 : memref<32x32xf32, #tpu.memory_space<hbm>>) target_semaphore(%run_scoped3A : memref<!tpu.dma_semaphore, #tpu.memory_space<semaphore_mem>>)
        %dma_wait3A_83 = arith.constant 0 : i32
        %dma_wait3A_84 = tpu.memref_slice %arg18[%add3A_77, %dma_wait3A_83] : memref<4096x32xf32, #tpu.memory_space<hbm>> -> memref<32x32xf32, #tpu.memory_space<hbm>>
        %dma_wait3A_85 = arith.constant 0 : i32
        %dma_wait3A_86 = tpu.memref_slice %arg18[%add3A_77, %dma_wait3A_85] : memref<4096x32xf32, #tpu.memory_space<hbm>> -> memref<32x32xf32, #tpu.memory_space<hbm>>
        tpu.wait_dma2 semaphore(%run_scoped3A : memref<!tpu.dma_semaphore, #tpu.memory_space<semaphore_mem>>) src(%arg25 : memref<32x32xf32, #tpu.memory_space<vmem>>) dst(%dma_wait3A_86 : memref<32x32xf32, #tpu.memory_space<hbm>>)
        tpu.yield
      }) : () -> ()
      %scan3A_78 = arith.constant 0 : i32
      scf.yield %scan3A_78 : i32
    }
    %scan3A_38 = arith.constant 4 : i32
    %scan3A_39 = arith.constant 0 : i32
    %scan3A_40 = arith.constant 0 : i32
    %scan3A_41 = arith.constant 4 : i32
    %scan3A_42 = arith.addi %scan3A_40, %scan3A_41 : i32
    %scan3A_43 = arith.constant 1 : i32
    %scan3A_44 = scf.for %scan3A_55 = %scan3A_40 to %scan3A_42 step %scan3A_43 iter_args(%scan3A_56 = %scan3A_39) -> (i32)  : i32 {
      %mul3A_57 = arith.constant 50 : i32
      %mul3A_58 = arith.muli %mul3A_2, %mul3A_57 : i32
      %mul3A_59 = arith.constant 1600 : i32
      %mul3A_60 = arith.muli %scan3A_55, %mul3A_59 : i32
      %add3A_61 = arith.addi %mul3A_58, %mul3A_60 : i32
      "tpu.region"() ({
        %run_scoped3A = tpu.sem_alloc : memref<!tpu.dma_semaphore, #tpu.memory_space<semaphore_mem>>
        %dma_start3A_79 = tpu.memref_slice %arg12[%add3A_61] : memref<204800xi32, #tpu.memory_space<hbm>> -> memref<1600xi32, #tpu.memory_space<hbm>>
        %dma_start3A_80 = tpu.memref_slice %arg12[%add3A_61] : memref<204800xi32, #tpu.memory_space<hbm>> -> memref<1600xi32, #tpu.memory_space<hbm>>
        tpu.enqueue_dma source(%dma_start3A_80 : memref<1600xi32, #tpu.memory_space<hbm>>) target(%arg23 : memref<1600xi32, #tpu.memory_space<vmem>>) target_semaphore(%run_scoped3A : memref<!tpu.dma_semaphore, #tpu.memory_space<semaphore_mem>>)
        %dma_wait3A_81 = tpu.memref_slice %arg12[%add3A_61] : memref<204800xi32, #tpu.memory_space<hbm>> -> memref<1600xi32, #tpu.memory_space<hbm>>
        %dma_wait3A_82 = tpu.memref_slice %arg12[%add3A_61] : memref<204800xi32, #tpu.memory_space<hbm>> -> memref<1600xi32, #tpu.memory_space<hbm>>
        tpu.wait_dma2 semaphore(%run_scoped3A : memref<!tpu.dma_semaphore, #tpu.memory_space<semaphore_mem>>) src(%dma_wait3A_82 : memref<1600xi32, #tpu.memory_space<hbm>>) dst(%arg23 : memref<1600xi32, #tpu.memory_space<vmem>>)
        tpu.yield
      }) : () -> ()
      %dma_start3A_62 = arith.constant 0 : i32
      %dma_start3A_63 = arith.constant 0 : i32
      %dma_start3A_64 = tpu.memref_slice %arg5[%dma_start3A_62, %dma_start3A_63] : memref<100000x32xf32, #tpu.memory_space<hbm>> -> memref<100000x32xf32, #tpu.memory_space<hbm>>
      tpu.enqueue_indirect_dma source(%dma_start3A_64 : memref<100000x32xf32, #tpu.memory_space<hbm>>) target(%arg24 : memref<1600x32xf32, #tpu.memory_space<vmem>>) offsets(%arg23 : memref<1600xi32, #tpu.memory_space<vmem>>) semaphore(%arg28 : memref<!tpu.dma_semaphore, #tpu.memory_space<semaphore_mem>>)
      %dma_wait3A_65 = arith.constant 0 : i32
      %dma_wait3A_66 = arith.constant 0 : i32
      %dma_wait3A_67 = tpu.memref_slice %arg5[%dma_wait3A_65, %dma_wait3A_66] : memref<100000x32xf32, #tpu.memory_space<hbm>> -> memref<100000x32xf32, #tpu.memory_space<hbm>>
      tpu.wait_indirect_dma semaphore(%arg28 : memref<!tpu.dma_semaphore, #tpu.memory_space<semaphore_mem>>) src(%dma_wait3A_67 : memref<100000x32xf32, #tpu.memory_space<hbm>>) dst(%arg24 : memref<1600x32xf32, #tpu.memory_space<vmem>>)
      %scan3A_68 = arith.constant 0 : i32
      %scan3A_69 = arith.constant 0 : i32
      %scan3A_70 = arith.constant 32 : i32
      %scan3A_71 = arith.addi %scan3A_69, %scan3A_70 : i32
      %scan3A_72 = arith.constant 1 : i32
      %scan3A_73 = scf.for %scan3A_79 = %scan3A_69 to %scan3A_71 step %scan3A_72 iter_args(%scan3A_80 = %scan3A_68) -> (i32)  : i32 {
        %mul3A_81 = arith.constant 50 : i32
        %mul3A_82 = arith.muli %scan3A_79, %mul3A_81 : i32
        %broadcast_in_dim3A = arith.constant 0.000000e+00 : f32
        %broadcast_in_dim3A_83 = vector.broadcast %broadcast_in_dim3A : f32 to vector<16xf32>
        %scan3A_84 = arith.constant 0 : i32
        %scan3A_85 = arith.constant 50 : i32
        %scan3A_86 = arith.addi %scan3A_84, %scan3A_85 : i32
        %scan3A_87 = arith.constant 10 : i32
        %scan3A_88:2 = scf.for %scan3A_100 = %scan3A_84 to %scan3A_86 step %scan3A_87 iter_args(%scan3A_101 = %broadcast_in_dim3A_83, %scan3A_102 = %broadcast_in_dim3A_83) -> (vector<16xf32>, vector<16xf32>)  : i32 {
          %add3A_103 = arith.addi %mul3A_82, %scan3A_100 : i32
          %get3A = arith.index_cast %add3A_103 : i32 to index
          %get3A_104 = arith.constant 0 : index
          %get3A_105 = tpu.vector_load %arg24[%get3A, %get3A_104] {strides = array<i32>} : memref<1600x32xf32, #tpu.memory_space<vmem>>, vector<1x16xf32>,
          %get3A_106 = vector.shape_cast %get3A_105 : vector<1x16xf32> to vector<16xf32>
          %add3A_107 = arith.addf %scan3A_101, %get3A_106 : vector<16xf32>
          %add3A_108 = arith.addi %mul3A_82, %scan3A_100 : i32
          %get3A_109 = arith.index_cast %add3A_108 : i32 to index
          %get3A_110 = arith.constant 16 : index
          %get3A_111 = tpu.vector_load %arg24[%get3A_109, %get3A_110] {strides = array<i32>} : memref<1600x32xf32, #tpu.memory_space<vmem>>, vector<1x16xf32>,
          %get3A_112 = vector.shape_cast %get3A_111 : vector<1x16xf32> to vector<16xf32>
          %add3A_113 = arith.addf %scan3A_102, %get3A_112 : vector<16xf32>
          %scan3A_114 = arith.constant 1 : i32
          %scan3A_115 = arith.addi %scan3A_100, %scan3A_114 : i32
          %add3A_116 = arith.addi %mul3A_82, %scan3A_115 : i32
          %get3A_117 = arith.index_cast %add3A_116 : i32 to index
          %get3A_118 = arith.constant 0 : index
          %get3A_119 = tpu.vector_load %arg24[%get3A_117, %get3A_118] {strides = array<i32>} : memref<1600x32xf32, #tpu.memory_space<vmem>>, vector<1x16xf32>,
          %get3A_120 = vector.shape_cast %get3A_119 : vector<1x16xf32> to vector<16xf32>
          %add3A_121 = arith.addf %add3A_107, %get3A_120 : vector<16xf32>
          %add3A_122 = arith.addi %mul3A_82, %scan3A_115 : i32
          %get3A_123 = arith.index_cast %add3A_122 : i32 to index
          %get3A_124 = arith.constant 16 : index
          %get3A_125 = tpu.vector_load %arg24[%get3A_123, %get3A_124] {strides = array<i32>} : memref<1600x32xf32, #tpu.memory_space<vmem>>, vector<1x16xf32>,
          %get3A_126 = vector.shape_cast %get3A_125 : vector<1x16xf32> to vector<16xf32>
          %add3A_127 = arith.addf %add3A_113, %get3A_126 : vector<16xf32>
          %scan3A_128 = arith.constant 2 : i32
          %scan3A_129 = arith.addi %scan3A_100, %scan3A_128 : i32
          %add3A_130 = arith.addi %mul3A_82, %scan3A_129 : i32
          %get3A_131 = arith.index_cast %add3A_130 : i32 to index
          %get3A_132 = arith.constant 0 : index
          %get3A_133 = tpu.vector_load %arg24[%get3A_131, %get3A_132] {strides = array<i32>} : memref<1600x32xf32, #tpu.memory_space<vmem>>, vector<1x16xf32>,
          %get3A_134 = vector.shape_cast %get3A_133 : vector<1x16xf32> to vector<16xf32>
          %add3A_135 = arith.addf %add3A_121, %get3A_134 : vector<16xf32>
          %add3A_136 = arith.addi %mul3A_82, %scan3A_129 : i32
          %get3A_137 = arith.index_cast %add3A_136 : i32 to index
          %get3A_138 = arith.constant 16 : index
          %get3A_139 = tpu.vector_load %arg24[%get3A_137, %get3A_138] {strides = array<i32>} : memref<1600x32xf32, #tpu.memory_space<vmem>>, vector<1x16xf32>,
          %get3A_140 = vector.shape_cast %get3A_139 : vector<1x16xf32> to vector<16xf32>
          %add3A_141 = arith.addf %add3A_127, %get3A_140 : vector<16xf32>
          %scan3A_142 = arith.constant 3 : i32
          %scan3A_143 = arith.addi %scan3A_100, %scan3A_142 : i32
          %add3A_144 = arith.addi %mul3A_82, %scan3A_143 : i32
          %get3A_145 = arith.index_cast %add3A_144 : i32 to index
          %get3A_146 = arith.constant 0 : index
          %get3A_147 = tpu.vector_load %arg24[%get3A_145, %get3A_146] {strides = array<i32>} : memref<1600x32xf32, #tpu.memory_space<vmem>>, vector<1x16xf32>,
          %get3A_148 = vector.shape_cast %get3A_147 : vector<1x16xf32> to vector<16xf32>
          %add3A_149 = arith.addf %add3A_135, %get3A_148 : vector<16xf32>
          %add3A_150 = arith.addi %mul3A_82, %scan3A_143 : i32
          %get3A_151 = arith.index_cast %add3A_150 : i32 to index
          %get3A_152 = arith.constant 16 : index
          %get3A_153 = tpu.vector_load %arg24[%get3A_151, %get3A_152] {strides = array<i32>} : memref<1600x32xf32, #tpu.memory_space<vmem>>, vector<1x16xf32>,
          %get3A_154 = vector.shape_cast %get3A_153 : vector<1x16xf32> to vector<16xf32>
          %add3A_155 = arith.addf %add3A_141, %get3A_154 : vector<16xf32>
          %scan3A_156 = arith.constant 4 : i32
          %scan3A_157 = arith.addi %scan3A_100, %scan3A_156 : i32
          %add3A_158 = arith.addi %mul3A_82, %scan3A_157 : i32
          %get3A_159 = arith.index_cast %add3A_158 : i32 to index
          %get3A_160 = arith.constant 0 : index
          %get3A_161 = tpu.vector_load %arg24[%get3A_159, %get3A_160] {strides = array<i32>} : memref<1600x32xf32, #tpu.memory_space<vmem>>, vector<1x16xf32>,
          %get3A_162 = vector.shape_cast %get3A_161 : vector<1x16xf32> to vector<16xf32>
          %add3A_163 = arith.addf %add3A_149, %get3A_162 : vector<16xf32>
          %add3A_164 = arith.addi %mul3A_82, %scan3A_157 : i32
          %get3A_165 = arith.index_cast %add3A_164 : i32 to index
          %get3A_166 = arith.constant 16 : index
          %get3A_167 = tpu.vector_load %arg24[%get3A_165, %get3A_166] {strides = array<i32>} : memref<1600x32xf32, #tpu.memory_space<vmem>>, vector<1x16xf32>,
          %get3A_168 = vector.shape_cast %get3A_167 : vector<1x16xf32> to vector<16xf32>
          %add3A_169 = arith.addf %add3A_155, %get3A_168 : vector<16xf32>
          %scan3A_170 = arith.constant 5 : i32
          %scan3A_171 = arith.addi %scan3A_100, %scan3A_170 : i32
          %add3A_172 = arith.addi %mul3A_82, %scan3A_171 : i32
          %get3A_173 = arith.index_cast %add3A_172 : i32 to index
          %get3A_174 = arith.constant 0 : index
          %get3A_175 = tpu.vector_load %arg24[%get3A_173, %get3A_174] {strides = array<i32>} : memref<1600x32xf32, #tpu.memory_space<vmem>>, vector<1x16xf32>,
          %get3A_176 = vector.shape_cast %get3A_175 : vector<1x16xf32> to vector<16xf32>
          %add3A_177 = arith.addf %add3A_163, %get3A_176 : vector<16xf32>
          %add3A_178 = arith.addi %mul3A_82, %scan3A_171 : i32
          %get3A_179 = arith.index_cast %add3A_178 : i32 to index
          %get3A_180 = arith.constant 16 : index
          %get3A_181 = tpu.vector_load %arg24[%get3A_179, %get3A_180] {strides = array<i32>} : memref<1600x32xf32, #tpu.memory_space<vmem>>, vector<1x16xf32>,
          %get3A_182 = vector.shape_cast %get3A_181 : vector<1x16xf32> to vector<16xf32>
          %add3A_183 = arith.addf %add3A_169, %get3A_182 : vector<16xf32>
          %scan3A_184 = arith.constant 6 : i32
          %scan3A_185 = arith.addi %scan3A_100, %scan3A_184 : i32
          %add3A_186 = arith.addi %mul3A_82, %scan3A_185 : i32
          %get3A_187 = arith.index_cast %add3A_186 : i32 to index
          %get3A_188 = arith.constant 0 : index
          %get3A_189 = tpu.vector_load %arg24[%get3A_187, %get3A_188] {strides = array<i32>} : memref<1600x32xf32, #tpu.memory_space<vmem>>, vector<1x16xf32>,
          %get3A_190 = vector.shape_cast %get3A_189 : vector<1x16xf32> to vector<16xf32>
          %add3A_191 = arith.addf %add3A_177, %get3A_190 : vector<16xf32>
          %add3A_192 = arith.addi %mul3A_82, %scan3A_185 : i32
          %get3A_193 = arith.index_cast %add3A_192 : i32 to index
          %get3A_194 = arith.constant 16 : index
          %get3A_195 = tpu.vector_load %arg24[%get3A_193, %get3A_194] {strides = array<i32>} : memref<1600x32xf32, #tpu.memory_space<vmem>>, vector<1x16xf32>,
          %get3A_196 = vector.shape_cast %get3A_195 : vector<1x16xf32> to vector<16xf32>
          %add3A_197 = arith.addf %add3A_183, %get3A_196 : vector<16xf32>
          %scan3A_198 = arith.constant 7 : i32
          %scan3A_199 = arith.addi %scan3A_100, %scan3A_198 : i32
          %add3A_200 = arith.addi %mul3A_82, %scan3A_199 : i32
          %get3A_201 = arith.index_cast %add3A_200 : i32 to index
          %get3A_202 = arith.constant 0 : index
          %get3A_203 = tpu.vector_load %arg24[%get3A_201, %get3A_202] {strides = array<i32>} : memref<1600x32xf32, #tpu.memory_space<vmem>>, vector<1x16xf32>,
          %get3A_204 = vector.shape_cast %get3A_203 : vector<1x16xf32> to vector<16xf32>
          %add3A_205 = arith.addf %add3A_191, %get3A_204 : vector<16xf32>
          %add3A_206 = arith.addi %mul3A_82, %scan3A_199 : i32
          %get3A_207 = arith.index_cast %add3A_206 : i32 to index
          %get3A_208 = arith.constant 16 : index
          %get3A_209 = tpu.vector_load %arg24[%get3A_207, %get3A_208] {strides = array<i32>} : memref<1600x32xf32, #tpu.memory_space<vmem>>, vector<1x16xf32>,
          %get3A_210 = vector.shape_cast %get3A_209 : vector<1x16xf32> to vector<16xf32>
          %add3A_211 = arith.addf %add3A_197, %get3A_210 : vector<16xf32>
          %scan3A_212 = arith.constant 8 : i32
          %scan3A_213 = arith.addi %scan3A_100, %scan3A_212 : i32
          %add3A_214 = arith.addi %mul3A_82, %scan3A_213 : i32
          %get3A_215 = arith.index_cast %add3A_214 : i32 to index
          %get3A_216 = arith.constant 0 : index
          %get3A_217 = tpu.vector_load %arg24[%get3A_215, %get3A_216] {strides = array<i32>} : memref<1600x32xf32, #tpu.memory_space<vmem>>, vector<1x16xf32>,
          %get3A_218 = vector.shape_cast %get3A_217 : vector<1x16xf32> to vector<16xf32>
          %add3A_219 = arith.addf %add3A_205, %get3A_218 : vector<16xf32>
          %add3A_220 = arith.addi %mul3A_82, %scan3A_213 : i32
          %get3A_221 = arith.index_cast %add3A_220 : i32 to index
          %get3A_222 = arith.constant 16 : index
          %get3A_223 = tpu.vector_load %arg24[%get3A_221, %get3A_222] {strides = array<i32>} : memref<1600x32xf32, #tpu.memory_space<vmem>>, vector<1x16xf32>,
          %get3A_224 = vector.shape_cast %get3A_223 : vector<1x16xf32> to vector<16xf32>
          %add3A_225 = arith.addf %add3A_211, %get3A_224 : vector<16xf32>
          %scan3A_226 = arith.constant 9 : i32
          %scan3A_227 = arith.addi %scan3A_100, %scan3A_226 : i32
          %add3A_228 = arith.addi %mul3A_82, %scan3A_227 : i32
          %get3A_229 = arith.index_cast %add3A_228 : i32 to index
          %get3A_230 = arith.constant 0 : index
          %get3A_231 = tpu.vector_load %arg24[%get3A_229, %get3A_230] {strides = array<i32>} : memref<1600x32xf32, #tpu.memory_space<vmem>>, vector<1x16xf32>,
          %get3A_232 = vector.shape_cast %get3A_231 : vector<1x16xf32> to vector<16xf32>
          %add3A_233 = arith.addf %add3A_219, %get3A_232 : vector<16xf32>
          %add3A_234 = arith.addi %mul3A_82, %scan3A_227 : i32
          %get3A_235 = arith.index_cast %add3A_234 : i32 to index
          %get3A_236 = arith.constant 16 : index
          %get3A_237 = tpu.vector_load %arg24[%get3A_235, %get3A_236] {strides = array<i32>} : memref<1600x32xf32, #tpu.memory_space<vmem>>, vector<1x16xf32>,
          %get3A_238 = vector.shape_cast %get3A_237 : vector<1x16xf32> to vector<16xf32>
          %add3A_239 = arith.addf %add3A_225, %get3A_238 : vector<16xf32>
          scf.yield %add3A_233, %add3A_239 : vector<16xf32>, vector<16xf32>
        }
        %scan3A_89 = arith.constant 50 : i32
        %swap3A = arith.index_cast %scan3A_79 : i32 to index
        %swap3A_90 = arith.constant 0 : index
        %swap3A_91 = tpu.vector_load %arg25[%swap3A, %swap3A_90] {strides = array<i32>} : memref<32x32xf32, #tpu.memory_space<vmem>>, vector<1x16xf32>,
        %swap3A_92 = vector.shape_cast %swap3A_91 : vector<1x16xf32> to vector<16xf32>
        %swap3A_93 = vector.shape_cast %scan3A_88#0 : vector<16xf32> to vector<1x16xf32>
        tpu.vector_store %arg25[%swap3A, %swap3A_90], %swap3A_93 {strides = array<i32>} : memref<32x32xf32, #tpu.memory_space<vmem>>, vector<1x16xf32>,
        %swap3A_94 = arith.index_cast %scan3A_79 : i32 to index
        %swap3A_95 = arith.constant 16 : index
        %swap3A_96 = tpu.vector_load %arg25[%swap3A_94, %swap3A_95] {strides = array<i32>} : memref<32x32xf32, #tpu.memory_space<vmem>>, vector<1x16xf32>,
        %swap3A_97 = vector.shape_cast %swap3A_96 : vector<1x16xf32> to vector<16xf32>
        %swap3A_98 = vector.shape_cast %scan3A_88#1 : vector<16xf32> to vector<1x16xf32>
        tpu.vector_store %arg25[%swap3A_94, %swap3A_95], %swap3A_98 {strides = array<i32>} : memref<32x32xf32, #tpu.memory_space<vmem>>, vector<1x16xf32>,
        %scan3A_99 = arith.constant 0 : i32
        scf.yield %scan3A_99 : i32
      }
      %scan3A_74 = arith.constant 32 : i32
      %mul3A_75 = arith.constant 32 : i32
      %mul3A_76 = arith.muli %scan3A_55, %mul3A_75 : i32
      %add3A_77 = arith.addi %mul3A_2, %mul3A_76 : i32
      "tpu.region"() ({
        %run_scoped3A = tpu.sem_alloc : memref<!tpu.dma_semaphore, #tpu.memory_space<semaphore_mem>>
        %dma_start3A_79 = arith.constant 0 : i32
        %dma_start3A_80 = tpu.memref_slice %arg19[%add3A_77, %dma_start3A_79] : memref<4096x32xf32, #tpu.memory_space<hbm>> -> memref<32x32xf32, #tpu.memory_space<hbm>>
        %dma_start3A_81 = arith.constant 0 : i32
        %dma_start3A_82 = tpu.memref_slice %arg19[%add3A_77, %dma_start3A_81] : memref<4096x32xf32, #tpu.memory_space<hbm>> -> memref<32x32xf32, #tpu.memory_space<hbm>>
        tpu.enqueue_dma source(%arg25 : memref<32x32xf32, #tpu.memory_space<vmem>>) target(%dma_start3A_82 : memref<32x32xf32, #tpu.memory_space<hbm>>) target_semaphore(%run_scoped3A : memref<!tpu.dma_semaphore, #tpu.memory_space<semaphore_mem>>)
        %dma_wait3A_83 = arith.constant 0 : i32
        %dma_wait3A_84 = tpu.memref_slice %arg19[%add3A_77, %dma_wait3A_83] : memref<4096x32xf32, #tpu.memory_space<hbm>> -> memref<32x32xf32, #tpu.memory_space<hbm>>
        %dma_wait3A_85 = arith.constant 0 : i32
        %dma_wait3A_86 = tpu.memref_slice %arg19[%add3A_77, %dma_wait3A_85] : memref<4096x32xf32, #tpu.memory_space<hbm>> -> memref<32x32xf32, #tpu.memory_space<hbm>>
        tpu.wait_dma2 semaphore(%run_scoped3A : memref<!tpu.dma_semaphore, #tpu.memory_space<semaphore_mem>>) src(%arg25 : memref<32x32xf32, #tpu.memory_space<vmem>>) dst(%dma_wait3A_86 : memref<32x32xf32, #tpu.memory_space<hbm>>)
        tpu.yield
      }) : () -> ()
      %scan3A_78 = arith.constant 0 : i32
      scf.yield %scan3A_78 : i32
    }
    %scan3A_45 = arith.constant 4 : i32
    %mul3A_46 = arith.constant 2560 : i32
    %mul3A_47 = arith.muli %add3A, %mul3A_46 : i32
    %scan3A_48 = arith.constant 0 : i32
    %scan3A_49 = arith.constant 0 : i32
    %scan3A_50 = arith.constant 4 : i32
    %scan3A_51 = arith.addi %scan3A_49, %scan3A_50 : i32
    %scan3A_52 = arith.constant 1 : i32
    %scan3A_53 = scf.for %scan3A_55 = %scan3A_49 to %scan3A_51 step %scan3A_52 iter_args(%scan3A_56 = %scan3A_48) -> (i32)  : i32 {
      %mul3A_57 = arith.constant 640 : i32
      %mul3A_58 = arith.muli %scan3A_55, %mul3A_57 : i32
      %add3A_59 = arith.addi %mul3A_47, %mul3A_58 : i32
      "tpu.region"() ({
        %run_scoped3A = tpu.sem_alloc : memref<!tpu.dma_semaphore, #tpu.memory_space<semaphore_mem>>
        %dma_start3A_67 = tpu.memref_slice %arg13[%add3A_59] : memref<81920xi32, #tpu.memory_space<hbm>> -> memref<640xi32, #tpu.memory_space<hbm>>
        %dma_start3A_68 = tpu.memref_slice %arg13[%add3A_59] : memref<81920xi32, #tpu.memory_space<hbm>> -> memref<640xi32, #tpu.memory_space<hbm>>
        tpu.enqueue_dma source(%dma_start3A_68 : memref<640xi32, #tpu.memory_space<hbm>>) target(%arg26 : memref<640xi32, #tpu.memory_space<vmem>>) target_semaphore(%run_scoped3A : memref<!tpu.dma_semaphore, #tpu.memory_space<semaphore_mem>>)
        %dma_wait3A_69 = tpu.memref_slice %arg13[%add3A_59] : memref<81920xi32, #tpu.memory_space<hbm>> -> memref<640xi32, #tpu.memory_space<hbm>>
        %dma_wait3A_70 = tpu.memref_slice %arg13[%add3A_59] : memref<81920xi32, #tpu.memory_space<hbm>> -> memref<640xi32, #tpu.memory_space<hbm>>
        tpu.wait_dma2 semaphore(%run_scoped3A : memref<!tpu.dma_semaphore, #tpu.memory_space<semaphore_mem>>) src(%dma_wait3A_70 : memref<640xi32, #tpu.memory_space<hbm>>) dst(%arg26 : memref<640xi32, #tpu.memory_space<vmem>>)
        tpu.yield
      }) : () -> ()
      %dma_start3A_60 = arith.constant 0 : i32
      %dma_start3A_61 = arith.constant 0 : i32
      %dma_start3A_62 = tpu.memref_slice %arg6[%dma_start3A_60, %dma_start3A_61] : memref<100000x64xf32, #tpu.memory_space<hbm>> -> memref<100000x64xf32, #tpu.memory_space<hbm>>
      tpu.enqueue_indirect_dma source(%dma_start3A_62 : memref<100000x64xf32, #tpu.memory_space<hbm>>) target(%arg27 : memref<640x64xf32, #tpu.memory_space<vmem>>) offsets(%arg26 : memref<640xi32, #tpu.memory_space<vmem>>) semaphore(%arg28 : memref<!tpu.dma_semaphore, #tpu.memory_space<semaphore_mem>>)
      %dma_wait3A_63 = arith.constant 0 : i32
      %dma_wait3A_64 = arith.constant 0 : i32
      %dma_wait3A_65 = tpu.memref_slice %arg6[%dma_wait3A_63, %dma_wait3A_64] : memref<100000x64xf32, #tpu.memory_space<hbm>> -> memref<100000x64xf32, #tpu.memory_space<hbm>>
      tpu.wait_indirect_dma semaphore(%arg28 : memref<!tpu.dma_semaphore, #tpu.memory_space<semaphore_mem>>) src(%dma_wait3A_65 : memref<100000x64xf32, #tpu.memory_space<hbm>>) dst(%arg27 : memref<640x64xf32, #tpu.memory_space<vmem>>)
      "tpu.region"() ({
        %run_scoped3A = tpu.sem_alloc : memref<!tpu.dma_semaphore, #tpu.memory_space<semaphore_mem>>
        %dma_start3A_67 = arith.constant 0 : i32
        %dma_start3A_68 = tpu.memref_slice %arg20[%add3A_59, %dma_start3A_67] : memref<81920x64xf32, #tpu.memory_space<hbm>> -> memref<640x64xf32, #tpu.memory_space<hbm>>
        %dma_start3A_69 = arith.constant 0 : i32
        %dma_start3A_70 = tpu.memref_slice %arg20[%add3A_59, %dma_start3A_69] : memref<81920x64xf32, #tpu.memory_space<hbm>> -> memref<640x64xf32, #tpu.memory_space<hbm>>
        tpu.enqueue_dma source(%arg27 : memref<640x64xf32, #tpu.memory_space<vmem>>) target(%dma_start3A_70 : memref<640x64xf32, #tpu.memory_space<hbm>>) target_semaphore(%run_scoped3A : memref<!tpu.dma_semaphore, #tpu.memory_space<semaphore_mem>>)
        %dma_wait3A_71 = arith.constant 0 : i32
        %dma_wait3A_72 = tpu.memref_slice %arg20[%add3A_59, %dma_wait3A_71] : memref<81920x64xf32, #tpu.memory_space<hbm>> -> memref<640x64xf32, #tpu.memory_space<hbm>>
        %dma_wait3A_73 = arith.constant 0 : i32
        %dma_wait3A_74 = tpu.memref_slice %arg20[%add3A_59, %dma_wait3A_73] : memref<81920x64xf32, #tpu.memory_space<hbm>> -> memref<640x64xf32, #tpu.memory_space<hbm>>
        tpu.wait_dma2 semaphore(%run_scoped3A : memref<!tpu.dma_semaphore, #tpu.memory_space<semaphore_mem>>) src(%arg27 : memref<640x64xf32, #tpu.memory_space<vmem>>) dst(%dma_wait3A_74 : memref<640x64xf32, #tpu.memory_space<hbm>>)
        tpu.yield
      }) : () -> ()
      %scan3A_66 = arith.constant 0 : i32
      scf.yield %scan3A_66 : i32
    }
    %scan3A_54 = arith.constant 4 : i32
    return
  }
}

module attributes {stable_mosaic.version = 14 : i64} {
  func.func @_tc_body(%arg0: i32, %arg1: memref<256x50xi32, #tpu.memory_space<vmem>>, %arg2: memref<20x256xi32, #tpu.memory_space<vmem>>, %arg3: memref<256x32xf32, #tpu.memory_space<vmem>>, %arg4: memref<256x32xf32, #tpu.memory_space<vmem>>, %arg5: memref<256x32xf32, #tpu.memory_space<vmem>>, %arg6: memref<256x32xf32, #tpu.memory_space<vmem>>, %arg7: memref<256x32xf32, #tpu.memory_space<vmem>>, %arg8: memref<256x32xf32, #tpu.memory_space<vmem>>, %arg9: memref<20x256x64xf32, #tpu.memory_space<vmem>>, %arg10: memref<64x64xf32, #tpu.memory_space<vmem>>, %arg11: memref<64xf32, #tpu.memory_space<vmem>>, %arg12: memref<320x256xf32, #tpu.memory_space<vmem>>, %arg13: memref<256xf32, #tpu.memory_space<vmem>>, %arg14: memref<256x128xf32, #tpu.memory_space<vmem>>, %arg15: memref<128xf32, #tpu.memory_space<vmem>>, %arg16: memref<128x1xf32, #tpu.memory_space<vmem>>, %arg17: memref<1xf32, #tpu.memory_space<vmem>>, %arg18: memref<256x1xf32, #tpu.memory_space<vmem>>) attributes {dimension_semantics = [#tpu.dimension_semantics<arbitrary>], iteration_bounds = array<i64: 16>, scalar_prefetch = 0 : i64, scratch_operands = 0 : i64, tpu.core_type = #tpu.core_type<tc>, window_params = [{transform_indices = @transform_0, window_bounds = array<i64: 256, 50>}, {transform_indices = @transform_1, window_bounds = array<i64: 20, 256>}, {transform_indices = @transform_2, window_bounds = array<i64: 256, 32>}, {transform_indices = @transform_3, window_bounds = array<i64: 256, 32>}, {transform_indices = @transform_4, window_bounds = array<i64: 256, 32>}, {transform_indices = @transform_5, window_bounds = array<i64: 256, 32>}, {transform_indices = @transform_6, window_bounds = array<i64: 256, 32>}, {transform_indices = @transform_7, window_bounds = array<i64: 256, 32>}, {transform_indices = @transform_8, window_bounds = array<i64: 20, 256, 64>}, {pipeline_mode = #tpu.pipeline_mode<synchronous>, transform_indices = @transform_9, window_bounds = array<i64: 64, 64>}, {pipeline_mode = #tpu.pipeline_mode<synchronous>, transform_indices = @transform_10, window_bounds = array<i64: 64>}, {pipeline_mode = #tpu.pipeline_mode<synchronous>, transform_indices = @transform_11, window_bounds = array<i64: 320, 256>}, {pipeline_mode = #tpu.pipeline_mode<synchronous>, transform_indices = @transform_12, window_bounds = array<i64: 256>}, {pipeline_mode = #tpu.pipeline_mode<synchronous>, transform_indices = @transform_13, window_bounds = array<i64: 256, 128>}, {pipeline_mode = #tpu.pipeline_mode<synchronous>, transform_indices = @transform_14, window_bounds = array<i64: 128>}, {pipeline_mode = #tpu.pipeline_mode<synchronous>, transform_indices = @transform_15, window_bounds = array<i64: 128, 1>}, {pipeline_mode = #tpu.pipeline_mode<synchronous>, transform_indices = @transform_16, window_bounds = array<i64: 1>}, {transform_indices = @transform_17, window_bounds = array<i64: 256, 1>}]} {
    %get3A = arith.constant 0 : index
    %get3A_0 = arith.constant 0 : index
    %get3A_1 = vector.load %arg1[%get3A, %get3A_0] : memref<256x50xi32, #tpu.memory_space<vmem>>, vector<256x50xi32>
    %ne3A = arith.constant 0 : i32
    %ne3A_2 = vector.broadcast %ne3A : i32 to vector<256x50xi32>
    %ne3A_3 = arith.cmpi ne, %get3A_1, %ne3A_2 : vector<256x50xi32>
    %convert_element_type3A = arith.extui %ne3A_3 : vector<256x50xi1> to vector<256x50xi32>
    %convert_element_type3A_4 = arith.sitofp %convert_element_type3A : vector<256x50xi32> to vector<256x50xf32>
    %reduce_sum3A = arith.constant dense<0.000000e+00> : vector<256xf32>
    %reduce_sum3A_5 = vector.multi_reduction <add>, %convert_element_type3A_4, %reduce_sum3A [1] : vector<256x50xf32> to vector<256xf32>
    %max3A = arith.constant 1.000000e+00 : f32
    %max3A_6 = vector.broadcast %max3A : f32 to vector<256xf32>
    %max3A_7 = arith.maximumf %reduce_sum3A_5, %max3A_6 : vector<256xf32>
    %broadcast_in_dim3A = vector.shape_cast %max3A_7 : vector<256xf32> to vector<256x1xf32>
    %get3A_8 = arith.constant 0 : index
    %get3A_9 = arith.constant 0 : index
    %get3A_10 = vector.load %arg7[%get3A_8, %get3A_9] : memref<256x32xf32, #tpu.memory_space<vmem>>, vector<256x32xf32>
    %div3A = vector.broadcast %broadcast_in_dim3A : vector<256x1xf32> to vector<256x32xf32>
    %div3A_11 = arith.divf %get3A_10, %div3A : vector<256x32xf32>
    %get3A_12 = arith.constant 0 : index
    %get3A_13 = arith.constant 0 : index
    %get3A_14 = vector.load %arg8[%get3A_12, %get3A_13] : memref<256x32xf32, #tpu.memory_space<vmem>>, vector<256x32xf32>
    %div3A_15 = vector.broadcast %broadcast_in_dim3A : vector<256x1xf32> to vector<256x32xf32>
    %div3A_16 = arith.divf %get3A_14, %div3A_15 : vector<256x32xf32>
    %get3A_17 = arith.constant 0 : index
    %get3A_18 = arith.constant 0 : index
    %get3A_19 = vector.load %arg2[%get3A_17, %get3A_18] : memref<20x256xi32, #tpu.memory_space<vmem>>, vector<20x256xi32>
    %ne3A_20 = arith.constant 0 : i32
    %ne3A_21 = vector.broadcast %ne3A_20 : i32 to vector<20x256xi32>
    %ne3A_22 = arith.cmpi ne, %get3A_19, %ne3A_21 : vector<20x256xi32>
    %convert_element_type3A_23 = arith.extui %ne3A_22 : vector<20x256xi1> to vector<20x256xi32>
    %convert_element_type3A_24 = arith.sitofp %convert_element_type3A_23 : vector<20x256xi32> to vector<20x256xf32>
    %reduce_sum3A_25 = arith.constant dense<0.000000e+00> : vector<256xf32>
    %reduce_sum3A_26 = vector.multi_reduction <add>, %convert_element_type3A_24, %reduce_sum3A_25 [0] : vector<20x256xf32> to vector<256xf32>
    %max3A_27 = arith.constant 1.000000e+00 : f32
    %max3A_28 = vector.broadcast %max3A_27 : f32 to vector<256xf32>
    %max3A_29 = arith.maximumf %reduce_sum3A_26, %max3A_28 : vector<256xf32>
    %get3A_30 = arith.constant 0 : index
    %get3A_31 = arith.constant 0 : index
    %get3A_32 = vector.load %arg10[%get3A_30, %get3A_31] : memref<64x64xf32, #tpu.memory_space<vmem>>, vector<64x64xf32>
    %get3A_33 = arith.constant 0 : index
    %get3A_34 = vector.load %arg11[%get3A_33] : memref<64xf32, #tpu.memory_space<vmem>>, vector<64xf32>
    %broadcast_in_dim3A_35 = arith.constant 0.000000e+00 : f32
    %broadcast_in_dim3A_36 = vector.broadcast %broadcast_in_dim3A_35 : f32 to vector<256x64xf32>
    %get3A_37 = arith.constant 0 : index
    %get3A_38 = arith.constant 0 : index
    %get3A_39 = arith.constant 0 : index
    %get3A_40 = vector.load %arg9[%get3A_37, %get3A_38, %get3A_39] : memref<20x256x64xf32, #tpu.memory_space<vmem>>, vector<1x256x64xf32>
    %get3A_41 = vector.shape_cast %get3A_40 : vector<1x256x64xf32> to vector<256x64xf32>
    %dot_general3A = arith.constant dense<0.000000e+00> : vector<256x64xf32>
    %dot_general3A_42 = tpu.matmul %get3A_41, %get3A_32, %dot_general3A {dimension_numbers = #tpu.dot_dimension_numbers<[1], [0], [0], [1], [0, 0, 1, 1], [], []>, transpose_lhs_hint = false} : vector<256x64xf32>, vector<64x64xf32>, vector<256x64xf32> -> vector<256x64xf32>
    %broadcast_in_dim3A_43 = vector.shape_cast %get3A_34 : vector<64xf32> to vector<1x64xf32>
    %add3A = vector.broadcast %broadcast_in_dim3A_43 : vector<1x64xf32> to vector<256x64xf32>
    %add3A_44 = arith.addf %dot_general3A_42, %add3A : vector<256x64xf32>
    %tanh3A = math.tanh %add3A_44 : vector<256x64xf32>
    %slice3A = vector.extract_strided_slice %convert_element_type3A_24 {offsets = [0, 0], sizes = [1, 256], strides = [1, 1]} : vector<20x256xf32> to vector<1x256xf32>
    %squeeze3A = vector.shape_cast %slice3A : vector<1x256xf32> to vector<256xf32>
    %broadcast_in_dim3A_45 = vector.shape_cast %squeeze3A : vector<256xf32> to vector<256x1xf32>
    %mul3A = vector.broadcast %broadcast_in_dim3A_45 : vector<256x1xf32> to vector<256x64xf32>
    %mul3A_46 = arith.mulf %tanh3A, %mul3A : vector<256x64xf32>
    %add3A_47 = arith.addf %broadcast_in_dim3A_36, %mul3A_46 : vector<256x64xf32>
    %get3A_48 = arith.constant 1 : index
    %get3A_49 = arith.constant 0 : index
    %get3A_50 = arith.constant 0 : index
    %get3A_51 = vector.load %arg9[%get3A_48, %get3A_49, %get3A_50] : memref<20x256x64xf32, #tpu.memory_space<vmem>>, vector<1x256x64xf32>
    %get3A_52 = vector.shape_cast %get3A_51 : vector<1x256x64xf32> to vector<256x64xf32>
    %dot_general3A_53 = arith.constant dense<0.000000e+00> : vector<256x64xf32>
    %dot_general3A_54 = tpu.matmul %get3A_52, %get3A_32, %dot_general3A_53 {dimension_numbers = #tpu.dot_dimension_numbers<[1], [0], [0], [1], [0, 0, 1, 1], [], []>, transpose_lhs_hint = false} : vector<256x64xf32>, vector<64x64xf32>, vector<256x64xf32> -> vector<256x64xf32>
    %broadcast_in_dim3A_55 = vector.shape_cast %get3A_34 : vector<64xf32> to vector<1x64xf32>
    %add3A_56 = vector.broadcast %broadcast_in_dim3A_55 : vector<1x64xf32> to vector<256x64xf32>
    %add3A_57 = arith.addf %dot_general3A_54, %add3A_56 : vector<256x64xf32>
    %tanh3A_58 = math.tanh %add3A_57 : vector<256x64xf32>
    %slice3A_59 = vector.extract_strided_slice %convert_element_type3A_24 {offsets = [1, 0], sizes = [1, 256], strides = [1, 1]} : vector<20x256xf32> to vector<1x256xf32>
    %squeeze3A_60 = vector.shape_cast %slice3A_59 : vector<1x256xf32> to vector<256xf32>
    %broadcast_in_dim3A_61 = vector.shape_cast %squeeze3A_60 : vector<256xf32> to vector<256x1xf32>
    %mul3A_62 = vector.broadcast %broadcast_in_dim3A_61 : vector<256x1xf32> to vector<256x64xf32>
    %mul3A_63 = arith.mulf %tanh3A_58, %mul3A_62 : vector<256x64xf32>
    %add3A_64 = arith.addf %add3A_47, %mul3A_63 : vector<256x64xf32>
    %get3A_65 = arith.constant 2 : index
    %get3A_66 = arith.constant 0 : index
    %get3A_67 = arith.constant 0 : index
    %get3A_68 = vector.load %arg9[%get3A_65, %get3A_66, %get3A_67] : memref<20x256x64xf32, #tpu.memory_space<vmem>>, vector<1x256x64xf32>
    %get3A_69 = vector.shape_cast %get3A_68 : vector<1x256x64xf32> to vector<256x64xf32>
    %dot_general3A_70 = arith.constant dense<0.000000e+00> : vector<256x64xf32>
    %dot_general3A_71 = tpu.matmul %get3A_69, %get3A_32, %dot_general3A_70 {dimension_numbers = #tpu.dot_dimension_numbers<[1], [0], [0], [1], [0, 0, 1, 1], [], []>, transpose_lhs_hint = false} : vector<256x64xf32>, vector<64x64xf32>, vector<256x64xf32> -> vector<256x64xf32>
    %broadcast_in_dim3A_72 = vector.shape_cast %get3A_34 : vector<64xf32> to vector<1x64xf32>
    %add3A_73 = vector.broadcast %broadcast_in_dim3A_72 : vector<1x64xf32> to vector<256x64xf32>
    %add3A_74 = arith.addf %dot_general3A_71, %add3A_73 : vector<256x64xf32>
    %tanh3A_75 = math.tanh %add3A_74 : vector<256x64xf32>
    %slice3A_76 = vector.extract_strided_slice %convert_element_type3A_24 {offsets = [2, 0], sizes = [1, 256], strides = [1, 1]} : vector<20x256xf32> to vector<1x256xf32>
    %squeeze3A_77 = vector.shape_cast %slice3A_76 : vector<1x256xf32> to vector<256xf32>
    %broadcast_in_dim3A_78 = vector.shape_cast %squeeze3A_77 : vector<256xf32> to vector<256x1xf32>
    %mul3A_79 = vector.broadcast %broadcast_in_dim3A_78 : vector<256x1xf32> to vector<256x64xf32>
    %mul3A_80 = arith.mulf %tanh3A_75, %mul3A_79 : vector<256x64xf32>
    %add3A_81 = arith.addf %add3A_64, %mul3A_80 : vector<256x64xf32>
    %get3A_82 = arith.constant 3 : index
    %get3A_83 = arith.constant 0 : index
    %get3A_84 = arith.constant 0 : index
    %get3A_85 = vector.load %arg9[%get3A_82, %get3A_83, %get3A_84] : memref<20x256x64xf32, #tpu.memory_space<vmem>>, vector<1x256x64xf32>
    %get3A_86 = vector.shape_cast %get3A_85 : vector<1x256x64xf32> to vector<256x64xf32>
    %dot_general3A_87 = arith.constant dense<0.000000e+00> : vector<256x64xf32>
    %dot_general3A_88 = tpu.matmul %get3A_86, %get3A_32, %dot_general3A_87 {dimension_numbers = #tpu.dot_dimension_numbers<[1], [0], [0], [1], [0, 0, 1, 1], [], []>, transpose_lhs_hint = false} : vector<256x64xf32>, vector<64x64xf32>, vector<256x64xf32> -> vector<256x64xf32>
    %broadcast_in_dim3A_89 = vector.shape_cast %get3A_34 : vector<64xf32> to vector<1x64xf32>
    %add3A_90 = vector.broadcast %broadcast_in_dim3A_89 : vector<1x64xf32> to vector<256x64xf32>
    %add3A_91 = arith.addf %dot_general3A_88, %add3A_90 : vector<256x64xf32>
    %tanh3A_92 = math.tanh %add3A_91 : vector<256x64xf32>
    %slice3A_93 = vector.extract_strided_slice %convert_element_type3A_24 {offsets = [3, 0], sizes = [1, 256], strides = [1, 1]} : vector<20x256xf32> to vector<1x256xf32>
    %squeeze3A_94 = vector.shape_cast %slice3A_93 : vector<1x256xf32> to vector<256xf32>
    %broadcast_in_dim3A_95 = vector.shape_cast %squeeze3A_94 : vector<256xf32> to vector<256x1xf32>
    %mul3A_96 = vector.broadcast %broadcast_in_dim3A_95 : vector<256x1xf32> to vector<256x64xf32>
    %mul3A_97 = arith.mulf %tanh3A_92, %mul3A_96 : vector<256x64xf32>
    %add3A_98 = arith.addf %add3A_81, %mul3A_97 : vector<256x64xf32>
    %get3A_99 = arith.constant 4 : index
    %get3A_100 = arith.constant 0 : index
    %get3A_101 = arith.constant 0 : index
    %get3A_102 = vector.load %arg9[%get3A_99, %get3A_100, %get3A_101] : memref<20x256x64xf32, #tpu.memory_space<vmem>>, vector<1x256x64xf32>
    %get3A_103 = vector.shape_cast %get3A_102 : vector<1x256x64xf32> to vector<256x64xf32>
    %dot_general3A_104 = arith.constant dense<0.000000e+00> : vector<256x64xf32>
    %dot_general3A_105 = tpu.matmul %get3A_103, %get3A_32, %dot_general3A_104 {dimension_numbers = #tpu.dot_dimension_numbers<[1], [0], [0], [1], [0, 0, 1, 1], [], []>, transpose_lhs_hint = false} : vector<256x64xf32>, vector<64x64xf32>, vector<256x64xf32> -> vector<256x64xf32>
    %broadcast_in_dim3A_106 = vector.shape_cast %get3A_34 : vector<64xf32> to vector<1x64xf32>
    %add3A_107 = vector.broadcast %broadcast_in_dim3A_106 : vector<1x64xf32> to vector<256x64xf32>
    %add3A_108 = arith.addf %dot_general3A_105, %add3A_107 : vector<256x64xf32>
    %tanh3A_109 = math.tanh %add3A_108 : vector<256x64xf32>
    %slice3A_110 = vector.extract_strided_slice %convert_element_type3A_24 {offsets = [4, 0], sizes = [1, 256], strides = [1, 1]} : vector<20x256xf32> to vector<1x256xf32>
    %squeeze3A_111 = vector.shape_cast %slice3A_110 : vector<1x256xf32> to vector<256xf32>
    %broadcast_in_dim3A_112 = vector.shape_cast %squeeze3A_111 : vector<256xf32> to vector<256x1xf32>
    %mul3A_113 = vector.broadcast %broadcast_in_dim3A_112 : vector<256x1xf32> to vector<256x64xf32>
    %mul3A_114 = arith.mulf %tanh3A_109, %mul3A_113 : vector<256x64xf32>
    %add3A_115 = arith.addf %add3A_98, %mul3A_114 : vector<256x64xf32>
    %get3A_116 = arith.constant 5 : index
    %get3A_117 = arith.constant 0 : index
    %get3A_118 = arith.constant 0 : index
    %get3A_119 = vector.load %arg9[%get3A_116, %get3A_117, %get3A_118] : memref<20x256x64xf32, #tpu.memory_space<vmem>>, vector<1x256x64xf32>
    %get3A_120 = vector.shape_cast %get3A_119 : vector<1x256x64xf32> to vector<256x64xf32>
    %dot_general3A_121 = arith.constant dense<0.000000e+00> : vector<256x64xf32>
    %dot_general3A_122 = tpu.matmul %get3A_120, %get3A_32, %dot_general3A_121 {dimension_numbers = #tpu.dot_dimension_numbers<[1], [0], [0], [1], [0, 0, 1, 1], [], []>, transpose_lhs_hint = false} : vector<256x64xf32>, vector<64x64xf32>, vector<256x64xf32> -> vector<256x64xf32>
    %broadcast_in_dim3A_123 = vector.shape_cast %get3A_34 : vector<64xf32> to vector<1x64xf32>
    %add3A_124 = vector.broadcast %broadcast_in_dim3A_123 : vector<1x64xf32> to vector<256x64xf32>
    %add3A_125 = arith.addf %dot_general3A_122, %add3A_124 : vector<256x64xf32>
    %tanh3A_126 = math.tanh %add3A_125 : vector<256x64xf32>
    %slice3A_127 = vector.extract_strided_slice %convert_element_type3A_24 {offsets = [5, 0], sizes = [1, 256], strides = [1, 1]} : vector<20x256xf32> to vector<1x256xf32>
    %squeeze3A_128 = vector.shape_cast %slice3A_127 : vector<1x256xf32> to vector<256xf32>
    %broadcast_in_dim3A_129 = vector.shape_cast %squeeze3A_128 : vector<256xf32> to vector<256x1xf32>
    %mul3A_130 = vector.broadcast %broadcast_in_dim3A_129 : vector<256x1xf32> to vector<256x64xf32>
    %mul3A_131 = arith.mulf %tanh3A_126, %mul3A_130 : vector<256x64xf32>
    %add3A_132 = arith.addf %add3A_115, %mul3A_131 : vector<256x64xf32>
    %get3A_133 = arith.constant 6 : index
    %get3A_134 = arith.constant 0 : index
    %get3A_135 = arith.constant 0 : index
    %get3A_136 = vector.load %arg9[%get3A_133, %get3A_134, %get3A_135] : memref<20x256x64xf32, #tpu.memory_space<vmem>>, vector<1x256x64xf32>
    %get3A_137 = vector.shape_cast %get3A_136 : vector<1x256x64xf32> to vector<256x64xf32>
    %dot_general3A_138 = arith.constant dense<0.000000e+00> : vector<256x64xf32>
    %dot_general3A_139 = tpu.matmul %get3A_137, %get3A_32, %dot_general3A_138 {dimension_numbers = #tpu.dot_dimension_numbers<[1], [0], [0], [1], [0, 0, 1, 1], [], []>, transpose_lhs_hint = false} : vector<256x64xf32>, vector<64x64xf32>, vector<256x64xf32> -> vector<256x64xf32>
    %broadcast_in_dim3A_140 = vector.shape_cast %get3A_34 : vector<64xf32> to vector<1x64xf32>
    %add3A_141 = vector.broadcast %broadcast_in_dim3A_140 : vector<1x64xf32> to vector<256x64xf32>
    %add3A_142 = arith.addf %dot_general3A_139, %add3A_141 : vector<256x64xf32>
    %tanh3A_143 = math.tanh %add3A_142 : vector<256x64xf32>
    %slice3A_144 = vector.extract_strided_slice %convert_element_type3A_24 {offsets = [6, 0], sizes = [1, 256], strides = [1, 1]} : vector<20x256xf32> to vector<1x256xf32>
    %squeeze3A_145 = vector.shape_cast %slice3A_144 : vector<1x256xf32> to vector<256xf32>
    %broadcast_in_dim3A_146 = vector.shape_cast %squeeze3A_145 : vector<256xf32> to vector<256x1xf32>
    %mul3A_147 = vector.broadcast %broadcast_in_dim3A_146 : vector<256x1xf32> to vector<256x64xf32>
    %mul3A_148 = arith.mulf %tanh3A_143, %mul3A_147 : vector<256x64xf32>
    %add3A_149 = arith.addf %add3A_132, %mul3A_148 : vector<256x64xf32>
    %get3A_150 = arith.constant 7 : index
    %get3A_151 = arith.constant 0 : index
    %get3A_152 = arith.constant 0 : index
    %get3A_153 = vector.load %arg9[%get3A_150, %get3A_151, %get3A_152] : memref<20x256x64xf32, #tpu.memory_space<vmem>>, vector<1x256x64xf32>
    %get3A_154 = vector.shape_cast %get3A_153 : vector<1x256x64xf32> to vector<256x64xf32>
    %dot_general3A_155 = arith.constant dense<0.000000e+00> : vector<256x64xf32>
    %dot_general3A_156 = tpu.matmul %get3A_154, %get3A_32, %dot_general3A_155 {dimension_numbers = #tpu.dot_dimension_numbers<[1], [0], [0], [1], [0, 0, 1, 1], [], []>, transpose_lhs_hint = false} : vector<256x64xf32>, vector<64x64xf32>, vector<256x64xf32> -> vector<256x64xf32>
    %broadcast_in_dim3A_157 = vector.shape_cast %get3A_34 : vector<64xf32> to vector<1x64xf32>
    %add3A_158 = vector.broadcast %broadcast_in_dim3A_157 : vector<1x64xf32> to vector<256x64xf32>
    %add3A_159 = arith.addf %dot_general3A_156, %add3A_158 : vector<256x64xf32>
    %tanh3A_160 = math.tanh %add3A_159 : vector<256x64xf32>
    %slice3A_161 = vector.extract_strided_slice %convert_element_type3A_24 {offsets = [7, 0], sizes = [1, 256], strides = [1, 1]} : vector<20x256xf32> to vector<1x256xf32>
    %squeeze3A_162 = vector.shape_cast %slice3A_161 : vector<1x256xf32> to vector<256xf32>
    %broadcast_in_dim3A_163 = vector.shape_cast %squeeze3A_162 : vector<256xf32> to vector<256x1xf32>
    %mul3A_164 = vector.broadcast %broadcast_in_dim3A_163 : vector<256x1xf32> to vector<256x64xf32>
    %mul3A_165 = arith.mulf %tanh3A_160, %mul3A_164 : vector<256x64xf32>
    %add3A_166 = arith.addf %add3A_149, %mul3A_165 : vector<256x64xf32>
    %get3A_167 = arith.constant 8 : index
    %get3A_168 = arith.constant 0 : index
    %get3A_169 = arith.constant 0 : index
    %get3A_170 = vector.load %arg9[%get3A_167, %get3A_168, %get3A_169] : memref<20x256x64xf32, #tpu.memory_space<vmem>>, vector<1x256x64xf32>
    %get3A_171 = vector.shape_cast %get3A_170 : vector<1x256x64xf32> to vector<256x64xf32>
    %dot_general3A_172 = arith.constant dense<0.000000e+00> : vector<256x64xf32>
    %dot_general3A_173 = tpu.matmul %get3A_171, %get3A_32, %dot_general3A_172 {dimension_numbers = #tpu.dot_dimension_numbers<[1], [0], [0], [1], [0, 0, 1, 1], [], []>, transpose_lhs_hint = false} : vector<256x64xf32>, vector<64x64xf32>, vector<256x64xf32> -> vector<256x64xf32>
    %broadcast_in_dim3A_174 = vector.shape_cast %get3A_34 : vector<64xf32> to vector<1x64xf32>
    %add3A_175 = vector.broadcast %broadcast_in_dim3A_174 : vector<1x64xf32> to vector<256x64xf32>
    %add3A_176 = arith.addf %dot_general3A_173, %add3A_175 : vector<256x64xf32>
    %tanh3A_177 = math.tanh %add3A_176 : vector<256x64xf32>
    %slice3A_178 = vector.extract_strided_slice %convert_element_type3A_24 {offsets = [8, 0], sizes = [1, 256], strides = [1, 1]} : vector<20x256xf32> to vector<1x256xf32>
    %squeeze3A_179 = vector.shape_cast %slice3A_178 : vector<1x256xf32> to vector<256xf32>
    %broadcast_in_dim3A_180 = vector.shape_cast %squeeze3A_179 : vector<256xf32> to vector<256x1xf32>
    %mul3A_181 = vector.broadcast %broadcast_in_dim3A_180 : vector<256x1xf32> to vector<256x64xf32>
    %mul3A_182 = arith.mulf %tanh3A_177, %mul3A_181 : vector<256x64xf32>
    %add3A_183 = arith.addf %add3A_166, %mul3A_182 : vector<256x64xf32>
    %get3A_184 = arith.constant 9 : index
    %get3A_185 = arith.constant 0 : index
    %get3A_186 = arith.constant 0 : index
    %get3A_187 = vector.load %arg9[%get3A_184, %get3A_185, %get3A_186] : memref<20x256x64xf32, #tpu.memory_space<vmem>>, vector<1x256x64xf32>
    %get3A_188 = vector.shape_cast %get3A_187 : vector<1x256x64xf32> to vector<256x64xf32>
    %dot_general3A_189 = arith.constant dense<0.000000e+00> : vector<256x64xf32>
    %dot_general3A_190 = tpu.matmul %get3A_188, %get3A_32, %dot_general3A_189 {dimension_numbers = #tpu.dot_dimension_numbers<[1], [0], [0], [1], [0, 0, 1, 1], [], []>, transpose_lhs_hint = false} : vector<256x64xf32>, vector<64x64xf32>, vector<256x64xf32> -> vector<256x64xf32>
    %broadcast_in_dim3A_191 = vector.shape_cast %get3A_34 : vector<64xf32> to vector<1x64xf32>
    %add3A_192 = vector.broadcast %broadcast_in_dim3A_191 : vector<1x64xf32> to vector<256x64xf32>
    %add3A_193 = arith.addf %dot_general3A_190, %add3A_192 : vector<256x64xf32>
    %tanh3A_194 = math.tanh %add3A_193 : vector<256x64xf32>
    %slice3A_195 = vector.extract_strided_slice %convert_element_type3A_24 {offsets = [9, 0], sizes = [1, 256], strides = [1, 1]} : vector<20x256xf32> to vector<1x256xf32>
    %squeeze3A_196 = vector.shape_cast %slice3A_195 : vector<1x256xf32> to vector<256xf32>
    %broadcast_in_dim3A_197 = vector.shape_cast %squeeze3A_196 : vector<256xf32> to vector<256x1xf32>
    %mul3A_198 = vector.broadcast %broadcast_in_dim3A_197 : vector<256x1xf32> to vector<256x64xf32>
    %mul3A_199 = arith.mulf %tanh3A_194, %mul3A_198 : vector<256x64xf32>
    %add3A_200 = arith.addf %add3A_183, %mul3A_199 : vector<256x64xf32>
    %get3A_201 = arith.constant 10 : index
    %get3A_202 = arith.constant 0 : index
    %get3A_203 = arith.constant 0 : index
    %get3A_204 = vector.load %arg9[%get3A_201, %get3A_202, %get3A_203] : memref<20x256x64xf32, #tpu.memory_space<vmem>>, vector<1x256x64xf32>
    %get3A_205 = vector.shape_cast %get3A_204 : vector<1x256x64xf32> to vector<256x64xf32>
    %dot_general3A_206 = arith.constant dense<0.000000e+00> : vector<256x64xf32>
    %dot_general3A_207 = tpu.matmul %get3A_205, %get3A_32, %dot_general3A_206 {dimension_numbers = #tpu.dot_dimension_numbers<[1], [0], [0], [1], [0, 0, 1, 1], [], []>, transpose_lhs_hint = false} : vector<256x64xf32>, vector<64x64xf32>, vector<256x64xf32> -> vector<256x64xf32>
    %broadcast_in_dim3A_208 = vector.shape_cast %get3A_34 : vector<64xf32> to vector<1x64xf32>
    %add3A_209 = vector.broadcast %broadcast_in_dim3A_208 : vector<1x64xf32> to vector<256x64xf32>
    %add3A_210 = arith.addf %dot_general3A_207, %add3A_209 : vector<256x64xf32>
    %tanh3A_211 = math.tanh %add3A_210 : vector<256x64xf32>
    %slice3A_212 = vector.extract_strided_slice %convert_element_type3A_24 {offsets = [10, 0], sizes = [1, 256], strides = [1, 1]} : vector<20x256xf32> to vector<1x256xf32>
    %squeeze3A_213 = vector.shape_cast %slice3A_212 : vector<1x256xf32> to vector<256xf32>
    %broadcast_in_dim3A_214 = vector.shape_cast %squeeze3A_213 : vector<256xf32> to vector<256x1xf32>
    %mul3A_215 = vector.broadcast %broadcast_in_dim3A_214 : vector<256x1xf32> to vector<256x64xf32>
    %mul3A_216 = arith.mulf %tanh3A_211, %mul3A_215 : vector<256x64xf32>
    %add3A_217 = arith.addf %add3A_200, %mul3A_216 : vector<256x64xf32>
    %get3A_218 = arith.constant 11 : index
    %get3A_219 = arith.constant 0 : index
    %get3A_220 = arith.constant 0 : index
    %get3A_221 = vector.load %arg9[%get3A_218, %get3A_219, %get3A_220] : memref<20x256x64xf32, #tpu.memory_space<vmem>>, vector<1x256x64xf32>
    %get3A_222 = vector.shape_cast %get3A_221 : vector<1x256x64xf32> to vector<256x64xf32>
    %dot_general3A_223 = arith.constant dense<0.000000e+00> : vector<256x64xf32>
    %dot_general3A_224 = tpu.matmul %get3A_222, %get3A_32, %dot_general3A_223 {dimension_numbers = #tpu.dot_dimension_numbers<[1], [0], [0], [1], [0, 0, 1, 1], [], []>, transpose_lhs_hint = false} : vector<256x64xf32>, vector<64x64xf32>, vector<256x64xf32> -> vector<256x64xf32>
    %broadcast_in_dim3A_225 = vector.shape_cast %get3A_34 : vector<64xf32> to vector<1x64xf32>
    %add3A_226 = vector.broadcast %broadcast_in_dim3A_225 : vector<1x64xf32> to vector<256x64xf32>
    %add3A_227 = arith.addf %dot_general3A_224, %add3A_226 : vector<256x64xf32>
    %tanh3A_228 = math.tanh %add3A_227 : vector<256x64xf32>
    %slice3A_229 = vector.extract_strided_slice %convert_element_type3A_24 {offsets = [11, 0], sizes = [1, 256], strides = [1, 1]} : vector<20x256xf32> to vector<1x256xf32>
    %squeeze3A_230 = vector.shape_cast %slice3A_229 : vector<1x256xf32> to vector<256xf32>
    %broadcast_in_dim3A_231 = vector.shape_cast %squeeze3A_230 : vector<256xf32> to vector<256x1xf32>
    %mul3A_232 = vector.broadcast %broadcast_in_dim3A_231 : vector<256x1xf32> to vector<256x64xf32>
    %mul3A_233 = arith.mulf %tanh3A_228, %mul3A_232 : vector<256x64xf32>
    %add3A_234 = arith.addf %add3A_217, %mul3A_233 : vector<256x64xf32>
    %get3A_235 = arith.constant 12 : index
    %get3A_236 = arith.constant 0 : index
    %get3A_237 = arith.constant 0 : index
    %get3A_238 = vector.load %arg9[%get3A_235, %get3A_236, %get3A_237] : memref<20x256x64xf32, #tpu.memory_space<vmem>>, vector<1x256x64xf32>
    %get3A_239 = vector.shape_cast %get3A_238 : vector<1x256x64xf32> to vector<256x64xf32>
    %dot_general3A_240 = arith.constant dense<0.000000e+00> : vector<256x64xf32>
    %dot_general3A_241 = tpu.matmul %get3A_239, %get3A_32, %dot_general3A_240 {dimension_numbers = #tpu.dot_dimension_numbers<[1], [0], [0], [1], [0, 0, 1, 1], [], []>, transpose_lhs_hint = false} : vector<256x64xf32>, vector<64x64xf32>, vector<256x64xf32> -> vector<256x64xf32>
    %broadcast_in_dim3A_242 = vector.shape_cast %get3A_34 : vector<64xf32> to vector<1x64xf32>
    %add3A_243 = vector.broadcast %broadcast_in_dim3A_242 : vector<1x64xf32> to vector<256x64xf32>
    %add3A_244 = arith.addf %dot_general3A_241, %add3A_243 : vector<256x64xf32>
    %tanh3A_245 = math.tanh %add3A_244 : vector<256x64xf32>
    %slice3A_246 = vector.extract_strided_slice %convert_element_type3A_24 {offsets = [12, 0], sizes = [1, 256], strides = [1, 1]} : vector<20x256xf32> to vector<1x256xf32>
    %squeeze3A_247 = vector.shape_cast %slice3A_246 : vector<1x256xf32> to vector<256xf32>
    %broadcast_in_dim3A_248 = vector.shape_cast %squeeze3A_247 : vector<256xf32> to vector<256x1xf32>
    %mul3A_249 = vector.broadcast %broadcast_in_dim3A_248 : vector<256x1xf32> to vector<256x64xf32>
    %mul3A_250 = arith.mulf %tanh3A_245, %mul3A_249 : vector<256x64xf32>
    %add3A_251 = arith.addf %add3A_234, %mul3A_250 : vector<256x64xf32>
    %get3A_252 = arith.constant 13 : index
    %get3A_253 = arith.constant 0 : index
    %get3A_254 = arith.constant 0 : index
    %get3A_255 = vector.load %arg9[%get3A_252, %get3A_253, %get3A_254] : memref<20x256x64xf32, #tpu.memory_space<vmem>>, vector<1x256x64xf32>
    %get3A_256 = vector.shape_cast %get3A_255 : vector<1x256x64xf32> to vector<256x64xf32>
    %dot_general3A_257 = arith.constant dense<0.000000e+00> : vector<256x64xf32>
    %dot_general3A_258 = tpu.matmul %get3A_256, %get3A_32, %dot_general3A_257 {dimension_numbers = #tpu.dot_dimension_numbers<[1], [0], [0], [1], [0, 0, 1, 1], [], []>, transpose_lhs_hint = false} : vector<256x64xf32>, vector<64x64xf32>, vector<256x64xf32> -> vector<256x64xf32>
    %broadcast_in_dim3A_259 = vector.shape_cast %get3A_34 : vector<64xf32> to vector<1x64xf32>
    %add3A_260 = vector.broadcast %broadcast_in_dim3A_259 : vector<1x64xf32> to vector<256x64xf32>
    %add3A_261 = arith.addf %dot_general3A_258, %add3A_260 : vector<256x64xf32>
    %tanh3A_262 = math.tanh %add3A_261 : vector<256x64xf32>
    %slice3A_263 = vector.extract_strided_slice %convert_element_type3A_24 {offsets = [13, 0], sizes = [1, 256], strides = [1, 1]} : vector<20x256xf32> to vector<1x256xf32>
    %squeeze3A_264 = vector.shape_cast %slice3A_263 : vector<1x256xf32> to vector<256xf32>
    %broadcast_in_dim3A_265 = vector.shape_cast %squeeze3A_264 : vector<256xf32> to vector<256x1xf32>
    %mul3A_266 = vector.broadcast %broadcast_in_dim3A_265 : vector<256x1xf32> to vector<256x64xf32>
    %mul3A_267 = arith.mulf %tanh3A_262, %mul3A_266 : vector<256x64xf32>
    %add3A_268 = arith.addf %add3A_251, %mul3A_267 : vector<256x64xf32>
    %get3A_269 = arith.constant 14 : index
    %get3A_270 = arith.constant 0 : index
    %get3A_271 = arith.constant 0 : index
    %get3A_272 = vector.load %arg9[%get3A_269, %get3A_270, %get3A_271] : memref<20x256x64xf32, #tpu.memory_space<vmem>>, vector<1x256x64xf32>
    %get3A_273 = vector.shape_cast %get3A_272 : vector<1x256x64xf32> to vector<256x64xf32>
    %dot_general3A_274 = arith.constant dense<0.000000e+00> : vector<256x64xf32>
    %dot_general3A_275 = tpu.matmul %get3A_273, %get3A_32, %dot_general3A_274 {dimension_numbers = #tpu.dot_dimension_numbers<[1], [0], [0], [1], [0, 0, 1, 1], [], []>, transpose_lhs_hint = false} : vector<256x64xf32>, vector<64x64xf32>, vector<256x64xf32> -> vector<256x64xf32>
    %broadcast_in_dim3A_276 = vector.shape_cast %get3A_34 : vector<64xf32> to vector<1x64xf32>
    %add3A_277 = vector.broadcast %broadcast_in_dim3A_276 : vector<1x64xf32> to vector<256x64xf32>
    %add3A_278 = arith.addf %dot_general3A_275, %add3A_277 : vector<256x64xf32>
    %tanh3A_279 = math.tanh %add3A_278 : vector<256x64xf32>
    %slice3A_280 = vector.extract_strided_slice %convert_element_type3A_24 {offsets = [14, 0], sizes = [1, 256], strides = [1, 1]} : vector<20x256xf32> to vector<1x256xf32>
    %squeeze3A_281 = vector.shape_cast %slice3A_280 : vector<1x256xf32> to vector<256xf32>
    %broadcast_in_dim3A_282 = vector.shape_cast %squeeze3A_281 : vector<256xf32> to vector<256x1xf32>
    %mul3A_283 = vector.broadcast %broadcast_in_dim3A_282 : vector<256x1xf32> to vector<256x64xf32>
    %mul3A_284 = arith.mulf %tanh3A_279, %mul3A_283 : vector<256x64xf32>
    %add3A_285 = arith.addf %add3A_268, %mul3A_284 : vector<256x64xf32>
    %get3A_286 = arith.constant 15 : index
    %get3A_287 = arith.constant 0 : index
    %get3A_288 = arith.constant 0 : index
    %get3A_289 = vector.load %arg9[%get3A_286, %get3A_287, %get3A_288] : memref<20x256x64xf32, #tpu.memory_space<vmem>>, vector<1x256x64xf32>
    %get3A_290 = vector.shape_cast %get3A_289 : vector<1x256x64xf32> to vector<256x64xf32>
    %dot_general3A_291 = arith.constant dense<0.000000e+00> : vector<256x64xf32>
    %dot_general3A_292 = tpu.matmul %get3A_290, %get3A_32, %dot_general3A_291 {dimension_numbers = #tpu.dot_dimension_numbers<[1], [0], [0], [1], [0, 0, 1, 1], [], []>, transpose_lhs_hint = false} : vector<256x64xf32>, vector<64x64xf32>, vector<256x64xf32> -> vector<256x64xf32>
    %broadcast_in_dim3A_293 = vector.shape_cast %get3A_34 : vector<64xf32> to vector<1x64xf32>
    %add3A_294 = vector.broadcast %broadcast_in_dim3A_293 : vector<1x64xf32> to vector<256x64xf32>
    %add3A_295 = arith.addf %dot_general3A_292, %add3A_294 : vector<256x64xf32>
    %tanh3A_296 = math.tanh %add3A_295 : vector<256x64xf32>
    %slice3A_297 = vector.extract_strided_slice %convert_element_type3A_24 {offsets = [15, 0], sizes = [1, 256], strides = [1, 1]} : vector<20x256xf32> to vector<1x256xf32>
    %squeeze3A_298 = vector.shape_cast %slice3A_297 : vector<1x256xf32> to vector<256xf32>
    %broadcast_in_dim3A_299 = vector.shape_cast %squeeze3A_298 : vector<256xf32> to vector<256x1xf32>
    %mul3A_300 = vector.broadcast %broadcast_in_dim3A_299 : vector<256x1xf32> to vector<256x64xf32>
    %mul3A_301 = arith.mulf %tanh3A_296, %mul3A_300 : vector<256x64xf32>
    %add3A_302 = arith.addf %add3A_285, %mul3A_301 : vector<256x64xf32>
    %get3A_303 = arith.constant 16 : index
    %get3A_304 = arith.constant 0 : index
    %get3A_305 = arith.constant 0 : index
    %get3A_306 = vector.load %arg9[%get3A_303, %get3A_304, %get3A_305] : memref<20x256x64xf32, #tpu.memory_space<vmem>>, vector<1x256x64xf32>
    %get3A_307 = vector.shape_cast %get3A_306 : vector<1x256x64xf32> to vector<256x64xf32>
    %dot_general3A_308 = arith.constant dense<0.000000e+00> : vector<256x64xf32>
    %dot_general3A_309 = tpu.matmul %get3A_307, %get3A_32, %dot_general3A_308 {dimension_numbers = #tpu.dot_dimension_numbers<[1], [0], [0], [1], [0, 0, 1, 1], [], []>, transpose_lhs_hint = false} : vector<256x64xf32>, vector<64x64xf32>, vector<256x64xf32> -> vector<256x64xf32>
    %broadcast_in_dim3A_310 = vector.shape_cast %get3A_34 : vector<64xf32> to vector<1x64xf32>
    %add3A_311 = vector.broadcast %broadcast_in_dim3A_310 : vector<1x64xf32> to vector<256x64xf32>
    %add3A_312 = arith.addf %dot_general3A_309, %add3A_311 : vector<256x64xf32>
    %tanh3A_313 = math.tanh %add3A_312 : vector<256x64xf32>
    %slice3A_314 = vector.extract_strided_slice %convert_element_type3A_24 {offsets = [16, 0], sizes = [1, 256], strides = [1, 1]} : vector<20x256xf32> to vector<1x256xf32>
    %squeeze3A_315 = vector.shape_cast %slice3A_314 : vector<1x256xf32> to vector<256xf32>
    %broadcast_in_dim3A_316 = vector.shape_cast %squeeze3A_315 : vector<256xf32> to vector<256x1xf32>
    %mul3A_317 = vector.broadcast %broadcast_in_dim3A_316 : vector<256x1xf32> to vector<256x64xf32>
    %mul3A_318 = arith.mulf %tanh3A_313, %mul3A_317 : vector<256x64xf32>
    %add3A_319 = arith.addf %add3A_302, %mul3A_318 : vector<256x64xf32>
    %get3A_320 = arith.constant 17 : index
    %get3A_321 = arith.constant 0 : index
    %get3A_322 = arith.constant 0 : index
    %get3A_323 = vector.load %arg9[%get3A_320, %get3A_321, %get3A_322] : memref<20x256x64xf32, #tpu.memory_space<vmem>>, vector<1x256x64xf32>
    %get3A_324 = vector.shape_cast %get3A_323 : vector<1x256x64xf32> to vector<256x64xf32>
    %dot_general3A_325 = arith.constant dense<0.000000e+00> : vector<256x64xf32>
    %dot_general3A_326 = tpu.matmul %get3A_324, %get3A_32, %dot_general3A_325 {dimension_numbers = #tpu.dot_dimension_numbers<[1], [0], [0], [1], [0, 0, 1, 1], [], []>, transpose_lhs_hint = false} : vector<256x64xf32>, vector<64x64xf32>, vector<256x64xf32> -> vector<256x64xf32>
    %broadcast_in_dim3A_327 = vector.shape_cast %get3A_34 : vector<64xf32> to vector<1x64xf32>
    %add3A_328 = vector.broadcast %broadcast_in_dim3A_327 : vector<1x64xf32> to vector<256x64xf32>
    %add3A_329 = arith.addf %dot_general3A_326, %add3A_328 : vector<256x64xf32>
    %tanh3A_330 = math.tanh %add3A_329 : vector<256x64xf32>
    %slice3A_331 = vector.extract_strided_slice %convert_element_type3A_24 {offsets = [17, 0], sizes = [1, 256], strides = [1, 1]} : vector<20x256xf32> to vector<1x256xf32>
    %squeeze3A_332 = vector.shape_cast %slice3A_331 : vector<1x256xf32> to vector<256xf32>
    %broadcast_in_dim3A_333 = vector.shape_cast %squeeze3A_332 : vector<256xf32> to vector<256x1xf32>
    %mul3A_334 = vector.broadcast %broadcast_in_dim3A_333 : vector<256x1xf32> to vector<256x64xf32>
    %mul3A_335 = arith.mulf %tanh3A_330, %mul3A_334 : vector<256x64xf32>
    %add3A_336 = arith.addf %add3A_319, %mul3A_335 : vector<256x64xf32>
    %get3A_337 = arith.constant 18 : index
    %get3A_338 = arith.constant 0 : index
    %get3A_339 = arith.constant 0 : index
    %get3A_340 = vector.load %arg9[%get3A_337, %get3A_338, %get3A_339] : memref<20x256x64xf32, #tpu.memory_space<vmem>>, vector<1x256x64xf32>
    %get3A_341 = vector.shape_cast %get3A_340 : vector<1x256x64xf32> to vector<256x64xf32>
    %dot_general3A_342 = arith.constant dense<0.000000e+00> : vector<256x64xf32>
    %dot_general3A_343 = tpu.matmul %get3A_341, %get3A_32, %dot_general3A_342 {dimension_numbers = #tpu.dot_dimension_numbers<[1], [0], [0], [1], [0, 0, 1, 1], [], []>, transpose_lhs_hint = false} : vector<256x64xf32>, vector<64x64xf32>, vector<256x64xf32> -> vector<256x64xf32>
    %broadcast_in_dim3A_344 = vector.shape_cast %get3A_34 : vector<64xf32> to vector<1x64xf32>
    %add3A_345 = vector.broadcast %broadcast_in_dim3A_344 : vector<1x64xf32> to vector<256x64xf32>
    %add3A_346 = arith.addf %dot_general3A_343, %add3A_345 : vector<256x64xf32>
    %tanh3A_347 = math.tanh %add3A_346 : vector<256x64xf32>
    %slice3A_348 = vector.extract_strided_slice %convert_element_type3A_24 {offsets = [18, 0], sizes = [1, 256], strides = [1, 1]} : vector<20x256xf32> to vector<1x256xf32>
    %squeeze3A_349 = vector.shape_cast %slice3A_348 : vector<1x256xf32> to vector<256xf32>
    %broadcast_in_dim3A_350 = vector.shape_cast %squeeze3A_349 : vector<256xf32> to vector<256x1xf32>
    %mul3A_351 = vector.broadcast %broadcast_in_dim3A_350 : vector<256x1xf32> to vector<256x64xf32>
    %mul3A_352 = arith.mulf %tanh3A_347, %mul3A_351 : vector<256x64xf32>
    %add3A_353 = arith.addf %add3A_336, %mul3A_352 : vector<256x64xf32>
    %get3A_354 = arith.constant 19 : index
    %get3A_355 = arith.constant 0 : index
    %get3A_356 = arith.constant 0 : index
    %get3A_357 = vector.load %arg9[%get3A_354, %get3A_355, %get3A_356] : memref<20x256x64xf32, #tpu.memory_space<vmem>>, vector<1x256x64xf32>
    %get3A_358 = vector.shape_cast %get3A_357 : vector<1x256x64xf32> to vector<256x64xf32>
    %dot_general3A_359 = arith.constant dense<0.000000e+00> : vector<256x64xf32>
    %dot_general3A_360 = tpu.matmul %get3A_358, %get3A_32, %dot_general3A_359 {dimension_numbers = #tpu.dot_dimension_numbers<[1], [0], [0], [1], [0, 0, 1, 1], [], []>, transpose_lhs_hint = false} : vector<256x64xf32>, vector<64x64xf32>, vector<256x64xf32> -> vector<256x64xf32>
    %broadcast_in_dim3A_361 = vector.shape_cast %get3A_34 : vector<64xf32> to vector<1x64xf32>
    %add3A_362 = vector.broadcast %broadcast_in_dim3A_361 : vector<1x64xf32> to vector<256x64xf32>
    %add3A_363 = arith.addf %dot_general3A_360, %add3A_362 : vector<256x64xf32>
    %tanh3A_364 = math.tanh %add3A_363 : vector<256x64xf32>
    %slice3A_365 = vector.extract_strided_slice %convert_element_type3A_24 {offsets = [19, 0], sizes = [1, 256], strides = [1, 1]} : vector<20x256xf32> to vector<1x256xf32>
    %squeeze3A_366 = vector.shape_cast %slice3A_365 : vector<1x256xf32> to vector<256xf32>
    %broadcast_in_dim3A_367 = vector.shape_cast %squeeze3A_366 : vector<256xf32> to vector<256x1xf32>
    %mul3A_368 = vector.broadcast %broadcast_in_dim3A_367 : vector<256x1xf32> to vector<256x64xf32>
    %mul3A_369 = arith.mulf %tanh3A_364, %mul3A_368 : vector<256x64xf32>
    %add3A_370 = arith.addf %add3A_353, %mul3A_369 : vector<256x64xf32>
    %broadcast_in_dim3A_371 = vector.shape_cast %max3A_29 : vector<256xf32> to vector<256x1xf32>
    %div3A_372 = vector.broadcast %broadcast_in_dim3A_371 : vector<256x1xf32> to vector<256x64xf32>
    %div3A_373 = arith.divf %add3A_370, %div3A_372 : vector<256x64xf32>
    %get3A_374 = arith.constant 0 : index
    %get3A_375 = arith.constant 0 : index
    %get3A_376 = vector.load %arg5[%get3A_374, %get3A_375] : memref<256x32xf32, #tpu.memory_space<vmem>>, vector<256x32xf32>
    %get3A_377 = arith.constant 0 : index
    %get3A_378 = arith.constant 0 : index
    %get3A_379 = vector.load %arg6[%get3A_377, %get3A_378] : memref<256x32xf32, #tpu.memory_space<vmem>>, vector<256x32xf32>
    %get3A_380 = arith.constant 0 : index
    %get3A_381 = arith.constant 0 : index
    %get3A_382 = vector.load %arg3[%get3A_380, %get3A_381] : memref<256x32xf32, #tpu.memory_space<vmem>>, vector<256x32xf32>
    %get3A_383 = arith.constant 0 : index
    %get3A_384 = arith.constant 0 : index
    %get3A_385 = vector.load %arg4[%get3A_383, %get3A_384] : memref<256x32xf32, #tpu.memory_space<vmem>>, vector<256x32xf32>
    %mul3A_386 = arith.mulf %get3A_376, %div3A_11 : vector<256x32xf32>
    %mul3A_387 = arith.mulf %get3A_379, %div3A_16 : vector<256x32xf32>
    %concatenate3A = tpu.concatenate %get3A_382, %get3A_385, %get3A_376, %get3A_379, %div3A_11, %div3A_16, %mul3A_386, %mul3A_387, %div3A_373 in 1 : vector<256x32xf32>, vector<256x32xf32>, vector<256x32xf32>, vector<256x32xf32>, vector<256x32xf32>, vector<256x32xf32>, vector<256x32xf32>, vector<256x32xf32>, vector<256x64xf32> -> vector<256x320xf32>
    %get3A_388 = arith.constant 0 : index
    %get3A_389 = arith.constant 0 : index
    %get3A_390 = vector.load %arg12[%get3A_388, %get3A_389] : memref<320x256xf32, #tpu.memory_space<vmem>>, vector<320x256xf32>
    %dot_general3A_391 = arith.constant dense<0.000000e+00> : vector<256x256xf32>
    %dot_general3A_392 = tpu.matmul %concatenate3A, %get3A_390, %dot_general3A_391 {dimension_numbers = #tpu.dot_dimension_numbers<[1], [0], [0], [1], [0, 0, 1, 1], [], []>, transpose_lhs_hint = false} : vector<256x320xf32>, vector<320x256xf32>, vector<256x256xf32> -> vector<256x256xf32>
    %get3A_393 = arith.constant 0 : index
    %get3A_394 = vector.load %arg13[%get3A_393] : memref<256xf32, #tpu.memory_space<vmem>>, vector<256xf32>
    %broadcast_in_dim3A_395 = vector.shape_cast %get3A_394 : vector<256xf32> to vector<1x256xf32>
    %add3A_396 = vector.broadcast %broadcast_in_dim3A_395 : vector<1x256xf32> to vector<256x256xf32>
    %add3A_397 = arith.addf %dot_general3A_392, %add3A_396 : vector<256x256xf32>
    %max3A_398 = arith.constant 0.000000e+00 : f32
    %max3A_399 = vector.broadcast %max3A_398 : f32 to vector<256x256xf32>
    %max3A_400 = arith.maximumf %add3A_397, %max3A_399 : vector<256x256xf32>
    %get3A_401 = arith.constant 0 : index
    %get3A_402 = arith.constant 0 : index
    %get3A_403 = vector.load %arg14[%get3A_401, %get3A_402] : memref<256x128xf32, #tpu.memory_space<vmem>>, vector<256x128xf32>
    %dot_general3A_404 = arith.constant dense<0.000000e+00> : vector<256x128xf32>
    %dot_general3A_405 = tpu.matmul %max3A_400, %get3A_403, %dot_general3A_404 {dimension_numbers = #tpu.dot_dimension_numbers<[1], [0], [0], [1], [0, 0, 1, 1], [], []>, transpose_lhs_hint = false} : vector<256x256xf32>, vector<256x128xf32>, vector<256x128xf32> -> vector<256x128xf32>
    %get3A_406 = arith.constant 0 : index
    %get3A_407 = vector.load %arg15[%get3A_406] : memref<128xf32, #tpu.memory_space<vmem>>, vector<128xf32>
    %broadcast_in_dim3A_408 = vector.shape_cast %get3A_407 : vector<128xf32> to vector<1x128xf32>
    %add3A_409 = vector.broadcast %broadcast_in_dim3A_408 : vector<1x128xf32> to vector<256x128xf32>
    %add3A_410 = arith.addf %dot_general3A_405, %add3A_409 : vector<256x128xf32>
    %max3A_411 = arith.constant 0.000000e+00 : f32
    %max3A_412 = vector.broadcast %max3A_411 : f32 to vector<256x128xf32>
    %max3A_413 = arith.maximumf %add3A_410, %max3A_412 : vector<256x128xf32>
    %get3A_414 = arith.constant 0 : index
    %get3A_415 = arith.constant 0 : index
    %get3A_416 = vector.load %arg16[%get3A_414, %get3A_415] : memref<128x1xf32, #tpu.memory_space<vmem>>, vector<128x1xf32>
    %dot_general3A_417 = arith.constant dense<0.000000e+00> : vector<256x1xf32>
    %dot_general3A_418 = tpu.matmul %max3A_413, %get3A_416, %dot_general3A_417 {dimension_numbers = #tpu.dot_dimension_numbers<[1], [0], [0], [1], [0, 0, 1, 1], [], []>, transpose_lhs_hint = false} : vector<256x128xf32>, vector<128x1xf32>, vector<256x1xf32> -> vector<256x1xf32>
    %get3A_419 = arith.constant 0 : index
    %get3A_420 = vector.load %arg17[%get3A_419] : memref<1xf32, #tpu.memory_space<vmem>>, vector<1xf32>
    %get3A_421 = vector.extract %get3A_420[0] : f32 from vector<1xf32>
    %add3A_422 = vector.broadcast %get3A_421 : f32 to vector<256x1xf32>
    %add3A_423 = arith.addf %dot_general3A_418, %add3A_422 : vector<256x1xf32>
    %neg3A = arith.constant 0.000000e+00 : f32
    %neg3A_424 = vector.broadcast %neg3A : f32 to vector<256x1xf32>
    %neg3A_425 = arith.subf %neg3A_424, %add3A_423 : vector<256x1xf32>
    %exp3A = math.exp %neg3A_425 : vector<256x1xf32>
    %add3A_426 = arith.constant 1.000000e+00 : f32
    %add3A_427 = vector.broadcast %add3A_426 : f32 to vector<256x1xf32>
    %add3A_428 = arith.addf %add3A_427, %exp3A : vector<256x1xf32>
    %div3A_429 = arith.constant 1.000000e+00 : f32
    %div3A_430 = vector.broadcast %div3A_429 : f32 to vector<256x1xf32>
    %div3A_431 = arith.divf %div3A_430, %add3A_428 : vector<256x1xf32>
    %swap3A = arith.constant 0 : index
    %swap3A_432 = arith.constant 0 : index
    %swap3A_433 = vector.load %arg18[%swap3A, %swap3A_432] : memref<256x1xf32, #tpu.memory_space<vmem>>, vector<256x1xf32>
    tpu.vector_store %arg18[%swap3A, %swap3A_432], %div3A_431 {strides = array<i32>} : memref<256x1xf32, #tpu.memory_space<vmem>>, vector<256x1xf32>,
    return
  }
  func.func @transform_0(%arg0: i32) -> (i32, i32) {
    %c0_i32 = arith.constant 0 : i32
    %c0_i32_0 = arith.constant 0 : i32
    return %arg0, %c0_i32 : i32, i32
  }
  func.func @transform_1(%arg0: i32) -> (i32, i32) {
    %c0_i32 = arith.constant 0 : i32
    %c0_i32_0 = arith.constant 0 : i32
    return %c0_i32, %arg0 : i32, i32
  }
  func.func @transform_2(%arg0: i32) -> (i32, i32) {
    %c0_i32 = arith.constant 0 : i32
    %c0_i32_0 = arith.constant 0 : i32
    return %arg0, %c0_i32 : i32, i32
  }
  func.func @transform_3(%arg0: i32) -> (i32, i32) {
    %c0_i32 = arith.constant 0 : i32
    %c0_i32_0 = arith.constant 0 : i32
    return %arg0, %c0_i32 : i32, i32
  }
  func.func @transform_4(%arg0: i32) -> (i32, i32) {
    %c0_i32 = arith.constant 0 : i32
    %c0_i32_0 = arith.constant 0 : i32
    return %arg0, %c0_i32 : i32, i32
  }
  func.func @transform_5(%arg0: i32) -> (i32, i32) {
    %c0_i32 = arith.constant 0 : i32
    %c0_i32_0 = arith.constant 0 : i32
    return %arg0, %c0_i32 : i32, i32
  }
  func.func @transform_6(%arg0: i32) -> (i32, i32) {
    %c0_i32 = arith.constant 0 : i32
    %c0_i32_0 = arith.constant 0 : i32
    return %arg0, %c0_i32 : i32, i32
  }
  func.func @transform_7(%arg0: i32) -> (i32, i32) {
    %c0_i32 = arith.constant 0 : i32
    %c0_i32_0 = arith.constant 0 : i32
    return %arg0, %c0_i32 : i32, i32
  }
  func.func @transform_8(%arg0: i32) -> (i32, i32, i32) {
    %c0_i32 = arith.constant 0 : i32
    %c0_i32_0 = arith.constant 0 : i32
    %c0_i32_1 = arith.constant 0 : i32
    return %c0_i32, %arg0, %c0_i32_0 : i32, i32, i32
  }
  func.func @transform_9(%arg0: i32) -> (i32, i32) {
    %c0_i32 = arith.constant 0 : i32
    %c0_i32_0 = arith.constant 0 : i32
    %c0_i32_1 = arith.constant 0 : i32
    return %c0_i32, %c0_i32_0 : i32, i32
  }
  func.func @transform_10(%arg0: i32) -> i32 {
    %c0_i32 = arith.constant 0 : i32
    %c0_i32_0 = arith.constant 0 : i32
    return %c0_i32 : i32
  }
  func.func @transform_11(%arg0: i32) -> (i32, i32) {
    %c0_i32 = arith.constant 0 : i32
    %c0_i32_0 = arith.constant 0 : i32
    %c0_i32_1 = arith.constant 0 : i32
    return %c0_i32, %c0_i32_0 : i32, i32
  }
  func.func @transform_12(%arg0: i32) -> i32 {
    %c0_i32 = arith.constant 0 : i32
    %c0_i32_0 = arith.constant 0 : i32
    return %c0_i32 : i32
  }
  func.func @transform_13(%arg0: i32) -> (i32, i32) {
    %c0_i32 = arith.constant 0 : i32
    %c0_i32_0 = arith.constant 0 : i32
    %c0_i32_1 = arith.constant 0 : i32
    return %c0_i32, %c0_i32_0 : i32, i32
  }
  func.func @transform_14(%arg0: i32) -> i32 {
    %c0_i32 = arith.constant 0 : i32
    %c0_i32_0 = arith.constant 0 : i32
    return %c0_i32 : i32
  }
  func.func @transform_15(%arg0: i32) -> (i32, i32) {
    %c0_i32 = arith.constant 0 : i32
    %c0_i32_0 = arith.constant 0 : i32
    %c0_i32_1 = arith.constant 0 : i32
    return %c0_i32, %c0_i32_0 : i32, i32
  }
  func.func @transform_16(%arg0: i32) -> i32 {
    %c0_i32 = arith.constant 0 : i32
    %c0_i32_0 = arith.constant 0 : i32
    return %c0_i32 : i32
  }
  func.func @transform_17(%arg0: i32) -> (i32, i32) {
    %c0_i32 = arith.constant 0 : i32
    %c0_i32_0 = arith.constant 0 : i32
    return %arg0, %c0_i32 : i32, i32
  }
}

</mosaic_0001>

<sc_bundles>
// kernel: kernel.4.cloned.1.call-start
scs
__scs_entry_jumppad:
0x0: {  	(pc) =	sbr.rel $0x88, $3  }
0x1: {  	(tag) =	ssettag $0x0;
	lr =	simm.s32 $0x1  }
0x2: {  	[smem:$0x3F8D] =	sst lr;
	_ =	strace $0xD0000000  }
0x3: {  	_ = 	snop  }
0x4: {  	_ = 	snop  }
0x5: {  	_ = 	snop  }
0x6: {  	_ = 	snop  }
0x7: {  	_ = 	snop  }
__scs_overlays_trampoline_lowered:
0x8: {  	[smem:$0x3F9C] =	sst s0  }
0x9: {  	[smem:$0x3F9D] =	sst s1  }
0xa: {  	[smem:$0x3F9E] =	sst s2  }
0xb: {  	[smem:$0x3F9F] =	sst s3  }
0xc: {  	[smem:$0x3FA0] =	sst s4  }
0xd: {  	[smem:$0x3FA1] =	sst s5  }
0xe: {  	[smem:$0x3FA2] =	sst s6  }
0xf: {  	[smem:$0x3FA3] =	sst s7  }
0x10: {  	[smem:$0x3FA4] =	sst s8  }
0x11: {  	[smem:$0x3FA5] =	sst s9;
	s0 =	simm.s32 @!p0 $0x0  }
0x12: {  	s1 =	sld [smem:$0x3F8B];
	s0 =	simm.s32 @p0 $0x1  }
0x13: {  	[smem:$0x3FA6] =	sst s0;
	s0 =	simm.s32 @!p1 $0x0  }
0x14: {  	s2 =	sld [smem:$0x3F8A];
	s0 =	simm.s32 @p1 $0x1  }
0x15: {  	[smem:$0x3FA7] =	sst s0;
	s0 =	simm.s32 @!p2 $0x0  }
0x16: {  	s3 =	sld [smem:$0x3FDB];
	s0 =	simm.s32 @p2 $0x1  }
0x17: {  	s4 =	simm.s32 $0x1BF5;
	[smem:$0x3FA9] =	sst s0  }
0x18: {  	s0 =	sld [smem:$0x3F8C];
	_ =	swait.ge [sflag:s4], $0x0  }
0x19: {  	s7 =	sld [smem:$0x3F8D]  }
0x1a: {  	s8 =	sadd.s32 $0xFFFFE003, lr  }
0x1b: {  	s9 =	sadd.s32 $0xFFFFFEF7, lr;
	s5 =	simm.s32 $0xFFFFFFFF;
	p2 =	slt.u32 s8, $0xFFFFF086  }
0x1c: {  	p1 =	slt.u32 s9, $0xF7A;
	s5 =	simm.s32 @!p2 $0x0  }
0x1d: {  	s5 =	simm.s32 @p1 $0x1;
	p0 =	seq.s32 s7, s2  }
0x1e: {  	s7 =	smul.u32 @!p0 $0xF7A, s2;
	p2 =	seq.s32 @!p0 s5, $0x0  }
0x1f: {  	s9 =	smul.u32 $0xF7A, s1;
	s8 =	simm.s32 @!p0 $0x1BF5;
	p2 =	por !p2, p0  }
0x20: {  	[sflag:s8] =	ssyncset.s32 @!p0 $0xFFFFF086;
	s6 =	sadd.s32 @!p0 s3, s7;
	s7 =	simm.s32 @!p0 $0x108  }
0x21: {  	s3 =	sadd.s32 s3, s9;
	s6 =	sadd.s32 @!p0 $0x88, s6;
	s7 =	simm.s32 @p2 $0x1082  }
0x22: {  	[simem:s7], [sflag:s8] =	dma.local @!p0 [hbm:s6], $0xF7A  }
0x23: {  	s9 =	sor.u32 $0xD0000000, s2;
	s6 =	simm.s32 $0x108;
	_ =	swait.ge @!p0 [sflag:s8], $0x0  }
0x24: {  	s3 =	sadd.s32 $0x88, s3;
	s6 =	simm.s32 @!p1 $0x1082;
	[sflag:s4] =	ssyncset.s32 $0xFFFFF086  }
0x25: {  	[simem:s6], [sflag:s4] =	dma.local [hbm:s3], $0xF7A  }
0x26: {  	[smem:$0x3F8D] =	sst s1;
	(tag) =	ssettag s2;
	_ =	strace s9  }
0x27: {  	s1 =	sld [smem:$0x3F9D]  }
0x28: {  	s2 =	sld [smem:$0x3F9E]  }
0x29: {  	s4 =	sld [smem:$0x3FA0]  }
0x2a: {  	p0 =	seq.s32 s5, $0x0;
	s5 =	sld [smem:$0x3FA1]  }
0x2b: {  	s6 =	sld [smem:$0x3FA2]  }
0x2c: {  	s7 =	sld [smem:$0x3FA3]  }
0x2d: {  	s3 =	simm.s32 $0x108;
	s8 =	sld [smem:$0x3FA4]  }
0x2e: {  	s3 =	simm.s32 @!p0 $0x1082;
	s9 =	sld [smem:$0x3FA5]  }
0x2f: {  	lr =	sadd.s32 s0, s3;
	s0 =	sld [smem:$0x3F9C]  }
0x30: {  	s3 =	sld [smem:$0x3F9F]  }
0x31: {  	[smem:$0x3FA8] =	sst s10  }
0x32: {  	s10 =	sld [smem:$0x3FA6];
	_ =	sdelay $0x3  }
0x33: {  	p0 =	seq.s32 s10, $0x1;
	s10 =	sld [smem:$0x3FA8];
	_ =	sdelay $0x3  }
0x34: {  	[smem:$0x3FA8] =	sst s10  }
0x35: {  	s10 =	sld [smem:$0x3FA7];
	_ =	sdelay $0x3  }
0x36: {  	p1 =	seq.s32 s10, $0x1;
	s10 =	sld [smem:$0x3FA8];
	_ =	sdelay $0x3  }
0x37: {  	[smem:$0x3FA8] =	sst s10  }
0x38: {  	s10 =	sld [smem:$0x3FA9]  }
0x39: {  	_ = 	snop;
	(pc) =	sbr.ind lr, $3  }
0x3a: {  	_ = 	snop  }
0x3b: {  	_ = 	snop  }
0x3c: {  	p2 =	seq.s32 s10, $0x1;
	s10 =	sld [smem:$0x3FA8]  }
0x3d: {  	_ =	shalt  }
0x3e: {  	_ =	shalt  }
0x3f: {  	_ =	shalt  }
0x40: {  	_ =	shalt  }
0x41: {  	_ =	shalt  }
0x42: {  	_ =	shalt  }
0x43: {  	_ =	shalt  }
0x44: {  	_ =	shalt  }
0x45: {  	_ =	shalt  }
0x46: {  	_ =	shalt  }
0x47: {  	_ =	shalt  }
0x48: {  	_ =	shalt  }
0x49: {  	_ =	shalt  }
0x4a: {  	_ =	shalt  }
0x4b: {  	_ =	shalt  }
0x4c: {  	_ =	shalt  }
0x4d: {  	_ =	shalt  }
0x4e: {  	_ =	shalt  }
0x4f: {  	_ =	shalt  }
0x50: {  	_ =	shalt  }
0x51: {  	_ =	shalt  }
0x52: {  	_ =	shalt  }
0x53: {  	_ =	shalt  }
0x54: {  	_ =	shalt  }
0x55: {  	_ =	shalt  }
0x56: {  	_ =	shalt  }
0x57: {  	_ =	shalt  }
0x58: {  	_ =	shalt  }
0x59: {  	_ =	shalt  }
0x5a: {  	_ =	shalt  }
0x5b: {  	_ =	shalt  }
0x5c: {  	_ =	shalt  }
0x5d: {  	_ =	shalt  }
0x5e: {  	_ =	shalt  }
0x5f: {  	_ =	shalt  }
0x60: {  	_ =	shalt  }
0x61: {  	_ =	shalt  }
0x62: {  	_ =	shalt  }
0x63: {  	_ =	shalt  }
0x64: {  	_ =	shalt  }
0x65: {  	_ =	shalt  }
0x66: {  	_ =	shalt  }
0x67: {  	_ =	shalt  }
0x68: {  	_ =	shalt  }
0x69: {  	_ =	shalt  }
0x6a: {  	_ =	shalt  }
0x6b: {  	_ =	shalt  }
0x6c: {  	_ =	shalt  }
0x6d: {  	_ =	shalt  }
0x6e: {  	_ =	shalt  }
0x6f: {  	_ =	shalt  }
0x70: {  	_ =	shalt  }
0x71: {  	_ =	shalt  }
0x72: {  	_ =	shalt  }
0x73: {  	_ =	shalt  }
0x74: {  	_ =	shalt  }
0x75: {  	_ =	shalt  }
0x76: {  	_ =	shalt  }
0x77: {  	_ =	shalt  }
0x78: {  	_ =	shalt  }
0x79: {  	_ =	shalt  }
0x7a: {  	_ =	shalt  }
0x7b: {  	_ =	shalt  }
0x7c: {  	_ =	shalt  }
0x7d: {  	_ =	shalt  }
0x7e: {  	_ =	shalt  }
0x7f: {  	_ =	shalt  }
0x80: {  	_ =	shalt  }
0x81: {  	_ =	shalt  }
0x82: {  	_ =	shalt  }
0x83: {  	_ =	shalt  }
0x84: {  	_ =	shalt  }
0x85: {  	_ =	shalt  }
0x86: {  	_ =	shalt  }
0x87: {  	_ =	shalt  }
.Lfunc_end0:
.L_simem_size_0:
called_computation_lowered:
.L_overlay_start_0:
0x88: {  	s2 =	sld [smem:$0x3FD9]  }
0x89: {  	s3 =	sld [smem:$0x3FFE];
	_ =	sdelay $0x1  }
0x8a: {  	s1 =	srdreg.scid  }
0x8b: {  	s0 =	sand.u32 $0x1, s1  }
0x8c: {  	s17 =	sshll.u32 s0, $0xA;
	s2 =	sadd.s32 s3, s2  }
0x8d: {  	s2 =	sadd.s32 s2, s17  }
0x8e: {  	[smem:$0x3FB4] =	sst s2  }
0x8f: {  	_ = 	snop  }
0x90: {  	s2 =	sld [smem:$0x3FC9]  }
0x91: {  	s18 =	sld [smem:$0x3FC8]  }
0x92: {  	s4 =	sld [smem:$0x3FC7]  }
0x93: {  	s5 =	sld [smem:$0x3FC6];
	(tm) =	ssettm $0x1  }
0x94: {  	s6 =	sld [smem:$0x3FFB];
	_ =	sdelay $0x3  }
0x95: {  	_ =	strace s6  }
0x96: {  	s6 =	sld [smem:$0x3FFC];
	_ =	sdelay $0x3  }
0x97: {  	_ =	strace s6  }
0x98: {  	s6 =	sld [smem:$0x3FFD];
	_ =	sdelay $0x3  }
0x99: {  	_ =	strace s6  }
0x9a: {  	_ =	strace $0x8FFFFFFF  }
0x9b: {  	s19 =	sld [smem:$0x3FDB];
	_ =	sdelay $0x1  }
0x9c: {  	s7 =	simm.s32 $_scs_section_size  }
0x9d: {  	s8 =	simm.s32 $_size__tile_overlayer_lowered;
	s9 =	simm.s32 $_tile_overlayer_lowered  }
0x9e: {  	s22 =	simm.s32 $0x1BFF;
	s21 =	sshll.u32 s9, $0x1;
	s6 =	sadd.s32 s7, s19  }
0x9f: {  	s10 =	simm.s32 $0x0;
	s20 =	sshll.u32 s8, $0x1;
	s8 =	sadd.s32 s21, s6  }
0xa0: {  	[timem:s10], [sflag:s22] =	dma.local [hbm:s8], s20  }
0xa1: {  	_ =	swait.ge [sflag:s22], s20  }
0xa2: {  	s7 =	ssub.s32 $0x0, s20;
	[sflag:s22] =	ssyncset.done $0x0  }
0xa3: {  	[sflag:s22] =	ssyncadd.s32 s7;
	_ =	sdelay $0x1  }
0xa4: {  	s23 =	simm.s32 $0x1B8B  }
0xa5: {  	_ =	swait.ge [sflag:s23], $0x1  }
0xa6: {  	[sflag:s23] =	ssyncset.done $0x0  }
0xa7: {  	s25 =	simm.s32 $0x1B8E;
	s24 =	sld [smem:$0x3FFE];
	[sflag:s23] =	ssyncadd.s32 $0xFFFFFFFF  }
0xa8: {  	s26 =	simm.s32 $execute0_lowered;
	[smem:$0x3FD2] =	sst s25  }
0xa9: {  	s8 =	sshll.u32 s26, $0x1;
	_ =	strace $0x80000046;
	[dreg:$0x1] =	wrdreg $0xFFFFFFFF  }
0xaa: {  	s28 =	simm.s32 $_size_execute0_lowered;
	s6 =	sadd.s32 s6, s8;
	[dreg:$0x0] =	wrdreg $0x0  }
0xab: {  	s8 =	sshll.u32 s28, $0x1;
	[dreg:$0x2] =	wrdreg s6  }
0xac: {  	[dreg:$0x3] =	wrdreg s8  }
0xad: {  	[dreg:$0x4] =	wrdreg $0xC0  }
0xae: {  	_ =	task [dreg:s10], $0x5FFFF  }
0xaf: {  	[dreg:$0x1] =	wrdreg $0xFFFFFFFF  }
0xb0: {  	[dreg:$0x0] =	wrdreg $0x60  }
0xb1: {  	[dreg:$0x2] =	wrdreg s24  }
0xb2: {  	[dreg:$0x3] =	wrdreg s2  }
0xb3: {  	[dreg:$0x4] =	wrdreg s18  }
0xb4: {  	[dreg:$0x5] =	wrdreg s4  }
0xb5: {  	[dreg:$0x6] =	wrdreg s5  }
0xb6: {  	[dreg:$0x7] =	wrdreg $0x9  }
0xb7: {  	_ =	task.clear_ibuf [dreg:s10], $0x8FFFF;
	_ =	strace $0x90000046  }
0xb8: {  	s29 =	simm.s32 $0x9;
	_ =	strace $0x80000048  }
0xb9: {  	_ =	swait.ge [sflag:s29], $0x1  }
0xba: {  	[sflag:s29] =	ssyncadd.s32 $0xFFFFFFFF  }
0xbb: {  	_ =	strace $0x90000048  }
0xbc: {  	_ =	sfence  }
0xbd: {  	s30 =	sld [smem:$0x0];
	_ =	sdelay $0x2  }
0xbe: {  	s31 =	sshll.u32 s1, $0xD;
	s1 =	sshrl.u32 s1, $0x2  }
0xbf: {  	s3 =	sand.u32 $0x4000, s31;
	s1 =	sadd.s32 s1, s30  }
0xc0: {  	s0 =	sor.u32 s3, s0;
	s1 =	sshll.u32 s1, $0x11  }
0xc1: {  	s0 =	sor.u32 s1, s0  }
0xc2: {  	s0 =	sadd.s32 $0x8F2B, s0  }
0xc3: {  	[sflag:s0] =	ssyncadd.remote.s32 $0x1  }
0xc4: {  	_ =	sfence.sel $0xFFFF  }
0xc5: {  	[dreg:$0x0] =	wrdreg $0xFFFFFFFF;
	(pc) =	sbr.abs _section_cstart, $3  }
0xc6: {  	[dreg:$0x1] =	wrdreg $0xFFFFFFFF  }
0xc7: {  	_ =	task.clear_ibuf [dreg:s10], $0x2FFFF;
	_ =	strace $0x9FFFFFFF  }
0xc8: {  	(tm) =	ssettm $0x7FFFFFFF  }
0xc9: {  	_ =	shalt  }
tec
execute0_lowered:
.L_overlay_start_1:
0x0: {  	(tag) =	ssettag $0x1  }
0x1: {  	s0 =	rddreg [dreg:$0x0]  }
0x2: {  	s2 =	rddreg [dreg:$0x1]  }
0x3: {  	s3 =	rddreg [dreg:$0x2]  }
0x4: {  	s4 =	rddreg [dreg:$0x3]  }
0x5: {  	s9 =	rddreg [dreg:$0x4];
	s1 =	simm.s32 $0x0;
	s19 =	srdreg.scid  }
0x6: {  	s6 =	stileid.u32;
	s31 =	simm.s32 $0x2;
	[smem:$0x7FF] =	sst s1  }
0x7: {  	s5 =	sadd.s32 $0x2C9200, s0;
	s7 =	sadd.s32 $0x23A00, s0;
	s10 =	sand.u32 $0x1, s19  }
0x8: {  	s20 =	sshll.u32 s6, $0x1;
	s6 =	sadd.s32 $0x267600, s0;
	s8 =	sadd.s32 $0x14A00, s0  }
0x9: {  	s13 =	sadd.s32 $0x1AE00, s0;
	_ =	strace $0x80000047;
	[dreg:$0x6] =	wrdreg s5  }
0xa: {  	s17 =	sadd.s32 $0x1D600, s0;
	[dreg:$0x7] =	wrdreg s7;
	s5 =	sadd.s32 $0xF5FA00, s0  }
0xb: {  	s11 =	sor.u32 s10, s20;
	s7 =	sadd.s32 $0x1A4000, s0;
	s10 =	ssub.s32 $0x2, s10  }
0xc: {  	s12 =	sshll.u32 s11, $0x9;
	s15 =	sshll.u32 s11, $0x4;
	s16 =	smul.u32 $0xA00, s11  }
0xd: {  	s14 =	sshrl.u32 s10, $0x1;
	s25 =	smul.u32 $0x5000, s11;
	s2 =	sadd.s32 s2, s15  }
0xe: {  	s12 =	sadd.s32 s12, s0;
	s21 =	sadd.s32 s3, s15;
	[dreg:$0x8] =	wrdreg s2  }
0xf: {  	s10 =	ssub.s32 s10, s14;
	s22 =	sadd.s32 s4, s15;
	[dreg:$0x9] =	wrdreg s21  }
0x10: {  	s23 =	sadd.s32 s9, s15;
	s3 =	simm.s32 $0x1080;
	[dreg:$0xa] =	wrdreg s22  }
0x11: {  	[dreg:$0xb] =	wrdreg s23;
	s24 =	sshrl.u32 s16, $0x3;
	s26 =	sadd.s32 $0x280, s16  }
0x12: {  	s14 =	sadd.s32 $0x500, s16;
	s16 =	sadd.s32 $0x780, s16;
	s21 =	sadd.s32 $0x24A00, s0  }
0x13: {  	s28 =	sadd.s32 $0xCCA00, s12;
	s29 =	sadd.s32 $0xC4A00, s12;
	s30 =	smax.u32 s10, $0x1  }
0x14: {  	s10 =	simm.s32 $0xDEC0;
	s2 =	sadd.s32 s13, s24;
	s9 =	sshrl.u32 s26, $0x3  }
0x15: {  	s18 =	sshrl.u32 s14, $0x3;
	s19 =	sshrl.u32 s16, $0x3;
	s22 =	sadd.s32 s21, s25  }
0x16: {  	s23 =	sshll.u32 s26, $0x3;
	s24 =	sshll.u32 s14, $0x3;
	s25 =	sshll.u32 s16, $0x3  }
0x17: {  	s14 =	simm.s32 $0x0;
	[dreg:$0xc] =	wrdreg s2;
	s4 =	sadd.s32 s13, s9  }
0x18: {  	s20 =	sadd.s32 s13, s19;
	[dreg:$0x10] =	wrdreg s22;
	s0 =	sadd.s32 s21, s23  }
0x19: {  	s26 =	sadd.s32 s21, s25;
	s22 =	sadd.s32 $0xC8A00, s12;
	s23 =	smul.u32 $0x1900, s11  }
0x1a: {  	s25 =	sadd.s32 $0xD4A00, s12;
	s2 =	simm.s32 $0x1;
	[dreg:$0xd] =	wrdreg s4  }
0x1b: {  	s9 =	simm.s32 $0x16C0;
	s11 =	simm.s32 $0xE2C0;
	[dreg:$0xf] =	wrdreg s20  }
0x1c: {  	s4 =	sadd.s32 s13, s18;
	[dreg:$0x11] =	wrdreg s0;
	s0 =	sadd.s32 s21, s24  }
0x1d: {  	[dreg:$0x13] =	wrdreg s26;
	s24 =	sadd.s32 $0xD8A00, s12;
	s26 =	sadd.s32 $0xD0A00, s12  }
0x1e: {  	s12 =	simm.s32 $0x280;
	s13 =	simm.s32 $0xE540;
	[dreg:$0xe] =	wrdreg s4  }
0x1f: {  	[dreg:$0x12] =	wrdreg s0;
	s0 =	simm.s32 $0x80;
	s4 =	simm.s32 $0x640  }
.LBB2_1:
0x20: {  	s15 =	rddreg [dreg:$0x8]  }
0x21: {  	[tilespmem:s1], [sflag:$0x2] =	stream.linear.gather [hbm4b:s15+s1], $0x80, $0x38;
	[tilespmem:$0x18540] =	vst v63  }
0x22: {  	_ =	swait.ge [sflag:s31], $0x80  }
0x23: {  	[sflag:s31] =	ssyncset.done $0x0  }
0x24: {  	s16 =	rddreg [dreg:$0x6];
	[sflag:s31] =	ssyncadd.s32 $0xFFFFFF80  }
0x25: {  	[tilespmem:s0], [sflag:$0x1] =	stream.indirect.gather [hbm4b:s16+s0], $0x20, s1, s0, $0xb8;
	[tilespmem:$0x18540] =	vst v63  }
0x26: {  	_ =	swait.ge [sflag:s2], $0x1000  }
0x27: {  	[sflag:s2] =	ssyncset.done $0x0  }
0x28: {  	[sflag:s2] =	ssyncadd.s32 $0xFFFFF000  }
0x29: {  	[hbm4b:s22+s1] =	stream.linear.scatter [tilespmem:s0], [sflag:$0x2], $0x1000, $0x38;
	[tilespmem:$0x18540] =	vst v63  }
0x2a: {  	_ =	swait.ge [sflag:s31], $0x1000  }
0x2b: {  	[sflag:s31] =	ssyncset.done $0x0  }
0x2c: {  	s18 =	rddreg [dreg:$0x9];
	[sflag:s31] =	ssyncadd.s32 $0xFFFFF000  }
0x2d: {  	[tilespmem:s1], [sflag:$0x2] =	stream.linear.gather [hbm4b:s18+s1], $0x80, $0x38;
	[tilespmem:$0x18540] =	vst v63  }
0x2e: {  	_ =	swait.ge [sflag:s31], $0x80  }
0x2f: {  	[sflag:s31] =	ssyncset.done $0x0  }
0x30: {  	s19 =	rddreg [dreg:$0x7];
	[sflag:s31] =	ssyncadd.s32 $0xFFFFFF80  }
0x31: {  	[tilespmem:s0], [sflag:$0x1] =	stream.indirect.gather [hbm4b:s19+s0], $0x20, s1, s0, $0xb8;
	[tilespmem:$0x18540] =	vst v63  }
0x32: {  	_ =	swait.ge [sflag:s2], $0x1000  }
0x33: {  	[sflag:s2] =	ssyncset.done $0x0  }
0x34: {  	[sflag:s2] =	ssyncadd.s32 $0xFFFFF000  }
0x35: {  	[hbm4b:s24+s1] =	stream.linear.scatter [tilespmem:s0], [sflag:$0x2], $0x1000, $0x38;
	[tilespmem:$0x18540] =	vst v63  }
0x36: {  	_ =	swait.ge [sflag:s31], $0x1000  }
0x37: {  	[sflag:s31] =	ssyncset.done $0x0  }
0x38: {  	s20 =	rddreg [dreg:$0xa];
	[sflag:s31] =	ssyncadd.s32 $0xFFFFF000  }
0x39: {  	[tilespmem:s1], [sflag:$0x2] =	stream.linear.gather [hbm4b:s20+s1], $0x80, $0x38;
	[tilespmem:$0x18540] =	vst v63  }
0x3a: {  	_ =	swait.ge [sflag:s31], $0x80  }
0x3b: {  	[sflag:s31] =	ssyncset.done $0x0  }
0x3c: {  	[sflag:s31] =	ssyncadd.s32 $0xFFFFFF80  }
0x3d: {  	[tilespmem:s0], [sflag:$0x1] =	stream.indirect.gather [hbm4b:s5+s0], $0x20, s1, s0, $0xb8;
	[tilespmem:$0x18540] =	vst v63  }
0x3e: {  	_ =	swait.ge [sflag:s2], $0x1000  }
0x3f: {  	[sflag:s2] =	ssyncset.done $0x0  }
0x40: {  	[sflag:s2] =	ssyncadd.s32 $0xFFFFF000  }
0x41: {  	[hbm4b:s25+s1] =	stream.linear.scatter [tilespmem:s0], [sflag:$0x2], $0x1000, $0x38;
	[tilespmem:$0x18540] =	vst v63  }
0x42: {  	_ =	swait.ge [sflag:s31], $0x1000  }
0x43: {  	[sflag:s31] =	ssyncset.done $0x0  }
0x44: {  	s21 =	rddreg [dreg:$0xb];
	[sflag:s31] =	ssyncadd.s32 $0xFFFFF000  }
0x45: {  	[tilespmem:s1], [sflag:$0x2] =	stream.linear.gather [hbm4b:s21+s1], $0x80, $0x38;
	[tilespmem:$0x18540] =	vst v63  }
0x46: {  	_ =	swait.ge [sflag:s31], $0x80  }
0x47: {  	[sflag:s31] =	ssyncset.done $0x0  }
0x48: {  	[sflag:s31] =	ssyncadd.s32 $0xFFFFFF80  }
0x49: {  	[tilespmem:s0], [sflag:$0x1] =	stream.indirect.gather [hbm4b:s6+s0], $0x20, s1, s0, $0xb8;
	[tilespmem:$0x18540] =	vst v63  }
0x4a: {  	_ =	swait.ge [sflag:s2], $0x1000  }
0x4b: {  	[sflag:s2] =	ssyncset.done $0x0  }
0x4c: {  	[sflag:s2] =	ssyncadd.s32 $0xFFFFF000  }
0x4d: {  	[hbm4b:s26+s1] =	stream.linear.scatter [tilespmem:s0], [sflag:$0x2], $0x1000, $0x38;
	[tilespmem:$0x18540] =	vst v63  }
0x4e: {  	_ =	swait.ge [sflag:s31], $0x1000  }
0x4f: {  	[sflag:s31] =	ssyncset.done $0x0  }
0x50: {  	s16 =	simm.s32 $0x0;
	[sflag:s31] =	ssyncadd.s32 $0xFFFFF000  }
.LBB2_2:
0x51: {  	s15 =	smul.u32 $0x640, s16;
	_ =	sdelay $0x1  }
0x52: {  	s15 =	sadd.s32 s23, s15  }
0x53: {  	s15 =	sshrl.u32 s15, $0x3  }
0x54: {  	s18 =	sadd.s32 s8, s15;
	s15 =	simm.s32 $0x0  }
0x55: {  	[tilespmem:s3], [sflag:$0x2] =	stream.linear.gather [hbm4b:s18+s15], $0x640, $0x38;
	[tilespmem:$0x18540] =	vst v63  }
0x56: {  	_ =	swait.ge [sflag:s31], $0x640  }
0x57: {  	[sflag:s31] =	ssyncset.done $0x0  }
0x58: {  	[sflag:s31] =	ssyncadd.s32 $0xFFFFF9C0  }
0x59: {  	[tilespmem:s9], [sflag:$0x1] =	stream.indirect.gather [hbm4b:s5+s4], $0x20, s3, s4, $0xb8;
	[tilespmem:$0x18540] =	vst v63  }
0x5a: {  	_ =	swait.ge [sflag:s2], $0xC800  }
0x5b: {  	[sflag:s2] =	ssyncset.done $0x0  }
0x5c: {  	s18 =	simm.s32 $0x1760;
	[sflag:s2] =	ssyncadd.s32 $0xFFFF3800  }
.LBB2_3:
0x5d: {  	v0 =	vld [tilespmem:s18+$0xFFFFFF60]  }
0x5e: {  	v1 =	vld [tilespmem:s18+$0xFFFFFF70]  }
0x5f: {  	v2 =	vld [tilespmem:s18+$0xFFFFFF80]  }
0x60: {  	v3 =	vld [tilespmem:s18+$0xFFFFFF90]  }
0x61: {  	v4 =	vld [tilespmem:s18+$0xFFFFFFA0]  }
0x62: {  	v5 =	vld [tilespmem:s18+$0xFFFFFFB0];
	v6 =	vimm.f32 $0.0e+00  }
0x63: {  	v7 =	vld [tilespmem:s18+$0xFFFFFFC0];
	v0 =	vadd.f32 v0, v6;
	v1 =	vadd.f32 v1, v6  }
0x64: {  	v6 =	vld [tilespmem:s18+$0xFFFFFFD0]  }
0x65: {  	v8 =	vld [tilespmem:s18+$0xFFFFFFE0];
	v0 =	vadd.f32 v2, v0;
	v1 =	vadd.f32 v3, v1  }
0x66: {  	v2 =	vld [tilespmem:s18+$0xFFFFFFF0]  }
0x67: {  	v9 =	vld [tilespmem:s18+$0x0];
	v0 =	vadd.f32 v4, v0;
	v1 =	vadd.f32 v5, v1  }
0x68: {  	v4 =	vld [tilespmem:s18+$0x10]  }
0x69: {  	v5 =	vld [tilespmem:s18+$0x20];
	v3 =	vadd.f32 v7, v0;
	v1 =	vadd.f32 v6, v1  }
0x6a: {  	v7 =	vld [tilespmem:s18+$0x30]  }
0x6b: {  	v0 =	vld [tilespmem:s18+$0x40];
	v6 =	vadd.f32 v8, v3;
	v2 =	vadd.f32 v2, v1  }
0x6c: {  	v3 =	vld [tilespmem:s18+$0x50]  }
0x6d: {  	v1 =	vld [tilespmem:s18+$0x60];
	v6 =	vadd.f32 v9, v6;
	v8 =	vadd.f32 v4, v2  }
0x6e: {  	v4 =	vld [tilespmem:s18+$0x70]  }
0x6f: {  	v2 =	vld [tilespmem:s18+$0x80];
	v6 =	vadd.f32 v5, v6;
	v7 =	vadd.f32 v7, v8  }
0x70: {  	s19 =	simm.s32 $0x0;
	s20 =	sadd.s32 $0x140, s18;
	v5 =	vld [tilespmem:s18+$0x90]  }
.LBB2_4:
0x71: {  	v8 =	vld [tilespmem:s20+$0xFFFFFF60];
	v0 =	vadd.f32 v0, v6;
	v3 =	vadd.f32 v3, v7  }
0x72: {  	s19 =	sadd.s32 $0xA, s19;
	v6 =	vld [tilespmem:s20+$0xFFFFFF70]  }
0x73: {  	p0 =	slt.u32 s19, $0x28;
	v7 =	vld [tilespmem:s20+$0xFFFFFF80];
	v0 =	vadd.f32 v1, v0;
	v1 =	vadd.f32 v4, v3  }
0x74: {  	v3 =	vld [tilespmem:s20+$0xFFFFFF90]  }
0x75: {  	v4 =	vld [tilespmem:s20+$0xFFFFFFA0];
	v0 =	vadd.f32 v2, v0;
	v1 =	vadd.f32 v5, v1  }
0x76: {  	v2 =	vld [tilespmem:s20+$0xFFFFFFB0]  }
0x77: {  	v0 =	vadd.f32 v8, v0;
	v1 =	vadd.f32 v6, v1;
	v5 =	vld [tilespmem:s20+$0xFFFFFFC0]  }
0x78: {  	v6 =	vld [tilespmem:s20+$0xFFFFFFD0]  }
0x79: {  	v0 =	vadd.f32 v7, v0;
	v1 =	vadd.f32 v3, v1;
	v3 =	vld [tilespmem:s20+$0xFFFFFFE0]  }
0x7a: {  	v7 =	vld [tilespmem:s20+$0xFFFFFFF0]  }
0x7b: {  	v0 =	vadd.f32 v4, v0;
	v1 =	vadd.f32 v2, v1;
	v2 =	vld [tilespmem:s20+$0x0]  }
0x7c: {  	v4 =	vld [tilespmem:s20+$0x10]  }
0x7d: {  	v0 =	vadd.f32 v5, v0;
	v1 =	vadd.f32 v6, v1;
	v5 =	vld [tilespmem:s20+$0x20]  }
0x7e: {  	v8 =	vld [tilespmem:s20+$0x30]  }
0x7f: {  	v6 =	vadd.f32 v3, v0;
	v1 =	vadd.f32 v7, v1;
	v0 =	vld [tilespmem:s20+$0x40]  }
.Ltmp0:
0x80: {  	v3 =	vld [tilespmem:s20+$0x50];
	(pc) =	sbr.rel @p0 .LBB2_4-.Ltmp0, $4  }
0x81: {  	v2 =	vadd.f32 v2, v6;
	v7 =	vadd.f32 v4, v1;
	v1 =	vld [tilespmem:s20+$0x60]  }
0x82: {  	v4 =	vld [tilespmem:s20+$0x70]  }
0x83: {  	v6 =	vadd.f32 v5, v2;
	v7 =	vadd.f32 v8, v7;
	v2 =	vld [tilespmem:s20+$0x80]  }
0x84: {  	v5 =	vld [tilespmem:s20+$0x90];
	s20 =	sadd.s32 $0x140, s20  }
0x85: {  	v0 =	vadd.f32 v0, v6  }
0x86: {  	v3 =	vadd.f32 v3, v7;
	s19 =	sshll.u32 s15, $0x5;
	s15 =	sadd.s32 $0x1, s15  }
0x87: {  	p0 =	sne.s32 s15, $0x20;
	v0 =	vadd.f32 v1, v0  }
.Ltmp1:
0x88: {  	v63 =	vadd.f32 v4, v3;
	(pc) =	sbr.rel @p0 .LBB2_3-.Ltmp1, $4  }
0x89: {  	v0 =	vadd.f32 v2, v0  }
0x8a: {  	s19 =	sand.u32 $0x3FFFFFE0, s19;
	v1 =	vadd.f32 v5, v63  }
0x8b: {  	[tilespmem:s19+$0xDEC0] =	vst v0  }
0x8c: {  	s18 =	sadd.s32 $0x640, s18;
	[tilespmem:s19+$0xDED0] =	vst v1  }
0x8d: {  	s15 =	sshll.u32 s16, $0x7;
	s16 =	sadd.s32 $0x1, s16  }
0x8e: {  	p0 =	sne.s32 s16, $0x4  }
.Ltmp2:
0x8f: {  	s18 =	sadd.s32 s15, s28;
	s15 =	simm.s32 $0x0;
	(pc) =	sbr.rel @p0 .LBB2_2-.Ltmp2, $4  }
0x90: {  	[hbm4b:s18+s15] =	stream.linear.scatter [tilespmem:s10], [sflag:$0x2], $0x400, $0x38;
	[tilespmem:$0x18540] =	vst v63  }
0x91: {  	_ =	swait.ge [sflag:s31], $0x400  }
0x92: {  	[sflag:s31] =	ssyncset.done $0x0  }
0x93: {  	[sflag:s31] =	ssyncadd.s32 $0xFFFFFC00  }
0x94: {  	s16 =	simm.s32 $0x0  }
.LBB2_8:
0x95: {  	s18 =	smul.u32 $0x640, s16;
	_ =	sdelay $0x1  }
0x96: {  	s18 =	sadd.s32 s23, s18  }
0x97: {  	s18 =	sshrl.u32 s18, $0x3  }
0x98: {  	s18 =	sadd.s32 s17, s18  }
0x99: {  	[tilespmem:s3], [sflag:$0x2] =	stream.linear.gather [hbm4b:s18+s15], $0x640, $0x38;
	[tilespmem:$0x18540] =	vst v63  }
0x9a: {  	_ =	swait.ge [sflag:s31], $0x640  }
0x9b: {  	[sflag:s31] =	ssyncset.done $0x0  }
0x9c: {  	[sflag:s31] =	ssyncadd.s32 $0xFFFFF9C0  }
0x9d: {  	[tilespmem:s9], [sflag:$0x1] =	stream.indirect.gather [hbm4b:s6+s4], $0x20, s3, s4, $0xb8;
	[tilespmem:$0x18540] =	vst v63  }
0x9e: {  	_ =	swait.ge [sflag:s2], $0xC800  }
0x9f: {  	[sflag:s2] =	ssyncset.done $0x0  }
0xa0: {  	s19 =	simm.s32 $0x0;
	s18 =	simm.s32 $0x1760;
	[sflag:s2] =	ssyncadd.s32 $0xFFFF3800  }
.LBB2_9:
0xa1: {  	v0 =	vld [tilespmem:s18+$0xFFFFFF60]  }
0xa2: {  	v1 =	vld [tilespmem:s18+$0xFFFFFF70]  }
0xa3: {  	v2 =	vld [tilespmem:s18+$0xFFFFFF80]  }
0xa4: {  	v3 =	vld [tilespmem:s18+$0xFFFFFF90]  }
0xa5: {  	v4 =	vld [tilespmem:s18+$0xFFFFFFA0]  }
0xa6: {  	v5 =	vld [tilespmem:s18+$0xFFFFFFB0];
	v6 =	vimm.f32 $0.0e+00  }
0xa7: {  	v7 =	vld [tilespmem:s18+$0xFFFFFFC0];
	v0 =	vadd.f32 v0, v6;
	v1 =	vadd.f32 v1, v6  }
0xa8: {  	v6 =	vld [tilespmem:s18+$0xFFFFFFD0]  }
0xa9: {  	v8 =	vld [tilespmem:s18+$0xFFFFFFE0];
	v0 =	vadd.f32 v2, v0;
	v1 =	vadd.f32 v3, v1  }
0xaa: {  	v2 =	vld [tilespmem:s18+$0xFFFFFFF0]  }
0xab: {  	v9 =	vld [tilespmem:s18+$0x0];
	v0 =	vadd.f32 v4, v0;
	v1 =	vadd.f32 v5, v1  }
0xac: {  	v4 =	vld [tilespmem:s18+$0x10]  }
0xad: {  	v5 =	vld [tilespmem:s18+$0x20];
	v3 =	vadd.f32 v7, v0;
	v1 =	vadd.f32 v6, v1  }
0xae: {  	v7 =	vld [tilespmem:s18+$0x30]  }
0xaf: {  	v0 =	vld [tilespmem:s18+$0x40];
	v6 =	vadd.f32 v8, v3;
	v2 =	vadd.f32 v2, v1  }
0xb0: {  	v3 =	vld [tilespmem:s18+$0x50]  }
0xb1: {  	v1 =	vld [tilespmem:s18+$0x60];
	v6 =	vadd.f32 v9, v6;
	v8 =	vadd.f32 v4, v2  }
0xb2: {  	v4 =	vld [tilespmem:s18+$0x70]  }
0xb3: {  	v2 =	vld [tilespmem:s18+$0x80];
	v6 =	vadd.f32 v5, v6;
	v7 =	vadd.f32 v7, v8  }
0xb4: {  	s20 =	simm.s32 $0x0;
	s21 =	sadd.s32 $0x140, s18;
	v5 =	vld [tilespmem:s18+$0x90]  }
.LBB2_10:
0xb5: {  	v8 =	vld [tilespmem:s21+$0xFFFFFF60];
	v0 =	vadd.f32 v0, v6;
	v3 =	vadd.f32 v3, v7  }
0xb6: {  	s20 =	sadd.s32 $0xA, s20;
	v6 =	vld [tilespmem:s21+$0xFFFFFF70]  }
0xb7: {  	p0 =	slt.u32 s20, $0x28;
	v7 =	vld [tilespmem:s21+$0xFFFFFF80];
	v0 =	vadd.f32 v1, v0;
	v1 =	vadd.f32 v4, v3  }
0xb8: {  	v3 =	vld [tilespmem:s21+$0xFFFFFF90]  }
0xb9: {  	v4 =	vld [tilespmem:s21+$0xFFFFFFA0];
	v0 =	vadd.f32 v2, v0;
	v1 =	vadd.f32 v5, v1  }
0xba: {  	v2 =	vld [tilespmem:s21+$0xFFFFFFB0]  }
0xbb: {  	v0 =	vadd.f32 v8, v0;
	v1 =	vadd.f32 v6, v1;
	v5 =	vld [tilespmem:s21+$0xFFFFFFC0]  }
0xbc: {  	v6 =	vld [tilespmem:s21+$0xFFFFFFD0]  }
0xbd: {  	v0 =	vadd.f32 v7, v0;
	v1 =	vadd.f32 v3, v1;
	v3 =	vld [tilespmem:s21+$0xFFFFFFE0]  }
0xbe: {  	v7 =	vld [tilespmem:s21+$0xFFFFFFF0]  }
0xbf: {  	v0 =	vadd.f32 v4, v0;
	v1 =	vadd.f32 v2, v1;
	v2 =	vld [tilespmem:s21+$0x0]  }
0xc0: {  	v4 =	vld [tilespmem:s21+$0x10]  }
0xc1: {  	v0 =	vadd.f32 v5, v0;
	v1 =	vadd.f32 v6, v1;
	v5 =	vld [tilespmem:s21+$0x20]  }
0xc2: {  	v8 =	vld [tilespmem:s21+$0x30]  }
0xc3: {  	v6 =	vadd.f32 v3, v0;
	v1 =	vadd.f32 v7, v1;
	v0 =	vld [tilespmem:s21+$0x40]  }
.Ltmp3:
0xc4: {  	v3 =	vld [tilespmem:s21+$0x50];
	(pc) =	sbr.rel @p0 .LBB2_10-.Ltmp3, $4  }
0xc5: {  	v2 =	vadd.f32 v2, v6;
	v7 =	vadd.f32 v4, v1;
	v1 =	vld [tilespmem:s21+$0x60]  }
0xc6: {  	v4 =	vld [tilespmem:s21+$0x70]  }
0xc7: {  	v6 =	vadd.f32 v5, v2;
	v7 =	vadd.f32 v8, v7;
	v2 =	vld [tilespmem:s21+$0x80]  }
0xc8: {  	v5 =	vld [tilespmem:s21+$0x90];
	s21 =	sadd.s32 $0x140, s21  }
0xc9: {  	v0 =	vadd.f32 v0, v6  }
0xca: {  	v3 =	vadd.f32 v3, v7;
	s20 =	sshll.u32 s19, $0x5;
	s19 =	sadd.s32 $0x1, s19  }
0xcb: {  	p0 =	sne.s32 s19, $0x20;
	v0 =	vadd.f32 v1, v0  }
.Ltmp4:
0xcc: {  	v63 =	vadd.f32 v4, v3;
	(pc) =	sbr.rel @p0 .LBB2_9-.Ltmp4, $4  }
0xcd: {  	v0 =	vadd.f32 v2, v0  }
0xce: {  	s20 =	sand.u32 $0x3FFFFFE0, s20;
	v1 =	vadd.f32 v5, v63  }
0xcf: {  	[tilespmem:s20+$0xDEC0] =	vst v0  }
0xd0: {  	s18 =	sadd.s32 $0x640, s18;
	[tilespmem:s20+$0xDED0] =	vst v1  }
0xd1: {  	s18 =	sshll.u32 s16, $0x7;
	s16 =	sadd.s32 $0x1, s16  }
0xd2: {  	p0 =	sne.s32 s16, $0x4  }
.Ltmp5:
0xd3: {  	s18 =	sadd.s32 s18, s29;
	(pc) =	sbr.rel @p0 .LBB2_8-.Ltmp5, $4  }
0xd4: {  	[hbm4b:s18+s1] =	stream.linear.scatter [tilespmem:s10], [sflag:$0x2], $0x400, $0x38;
	[tilespmem:$0x18540] =	vst v63  }
0xd5: {  	_ =	swait.ge [sflag:s31], $0x400  }
0xd6: {  	[sflag:s31] =	ssyncset.done $0x0  }
0xd7: {  	[sflag:s31] =	ssyncadd.s32 $0xFFFFFC00  }
0xd8: {  	s15 =	rddreg [dreg:$0xc]  }
0xd9: {  	[tilespmem:s11], [sflag:$0x2] =	stream.linear.gather [hbm4b:s15+s1], $0x280, $0x38;
	[tilespmem:$0x18540] =	vst v63  }
0xda: {  	_ =	swait.ge [sflag:s31], $0x280  }
0xdb: {  	[sflag:s31] =	ssyncset.done $0x0  }
0xdc: {  	[sflag:s31] =	ssyncadd.s32 $0xFFFFFD80  }
0xdd: {  	[tilespmem:s13], [sflag:$0x1] =	stream.indirect.gather [hbm4b:s7+s12], $0x40, s11, s12, $0xb8;
	[tilespmem:$0x18540] =	vst v63  }
0xde: {  	_ =	swait.ge [sflag:s2], $0xA000  }
0xdf: {  	[sflag:s2] =	ssyncset.done $0x0  }
0xe0: {  	s20 =	rddreg [dreg:$0x10];
	[sflag:s2] =	ssyncadd.s32 $0xFFFF6000  }
0xe1: {  	[hbm4b:s20+s1] =	stream.linear.scatter [tilespmem:s13], [sflag:$0x2], $0xA000, $0x38;
	[tilespmem:$0x18540] =	vst v63  }
0xe2: {  	_ =	swait.ge [sflag:s31], $0xA000  }
0xe3: {  	[sflag:s31] =	ssyncset.done $0x0  }
0xe4: {  	s21 =	rddreg [dreg:$0xd];
	[sflag:s31] =	ssyncadd.s32 $0xFFFF6000  }
0xe5: {  	[tilespmem:s11], [sflag:$0x2] =	stream.linear.gather [hbm4b:s21+s1], $0x280, $0x38;
	[tilespmem:$0x18540] =	vst v63  }
0xe6: {  	_ =	swait.ge [sflag:s31], $0x280  }
0xe7: {  	[sflag:s31] =	ssyncset.done $0x0  }
0xe8: {  	[sflag:s31] =	ssyncadd.s32 $0xFFFFFD80  }
0xe9: {  	[tilespmem:s13], [sflag:$0x1] =	stream.indirect.gather [hbm4b:s7+s12], $0x40, s11, s12, $0xb8;
	[tilespmem:$0x18540] =	vst v63  }
0xea: {  	_ =	swait.ge [sflag:s2], $0xA000  }
0xeb: {  	[sflag:s2] =	ssyncset.done $0x0  }
0xec: {  	s16 =	rddreg [dreg:$0x11];
	[sflag:s2] =	ssyncadd.s32 $0xFFFF6000  }
0xed: {  	[hbm4b:s16+s1] =	stream.linear.scatter [tilespmem:s13], [sflag:$0x2], $0xA000, $0x38;
	[tilespmem:$0x18540] =	vst v63  }
0xee: {  	_ =	swait.ge [sflag:s31], $0xA000  }
0xef: {  	[sflag:s31] =	ssyncset.done $0x0  }
0xf0: {  	s18 =	rddreg [dreg:$0xe];
	[sflag:s31] =	ssyncadd.s32 $0xFFFF6000  }
0xf1: {  	[tilespmem:s11], [sflag:$0x2] =	stream.linear.gather [hbm4b:s18+s1], $0x280, $0x38;
	[tilespmem:$0x18540] =	vst v63  }
0xf2: {  	_ =	swait.ge [sflag:s31], $0x280  }
0xf3: {  	[sflag:s31] =	ssyncset.done $0x0  }
0xf4: {  	[sflag:s31] =	ssyncadd.s32 $0xFFFFFD80  }
0xf5: {  	[tilespmem:s13], [sflag:$0x1] =	stream.indirect.gather [hbm4b:s7+s12], $0x40, s11, s12, $0xb8;
	[tilespmem:$0x18540] =	vst v63  }
0xf6: {  	_ =	swait.ge [sflag:s2], $0xA000  }
0xf7: {  	[sflag:s2] =	ssyncset.done $0x0  }
0xf8: {  	s19 =	rddreg [dreg:$0x12];
	[sflag:s2] =	ssyncadd.s32 $0xFFFF6000  }
0xf9: {  	[hbm4b:s19+s1] =	stream.linear.scatter [tilespmem:s13], [sflag:$0x2], $0xA000, $0x38;
	[tilespmem:$0x18540] =	vst v63  }
0xfa: {  	_ =	swait.ge [sflag:s31], $0xA000  }
0xfb: {  	[sflag:s31] =	ssyncset.done $0x0  }
0xfc: {  	s20 =	rddreg [dreg:$0xf];
	[sflag:s31] =	ssyncadd.s32 $0xFFFF6000  }
0xfd: {  	[tilespmem:s11], [sflag:$0x2] =	stream.linear.gather [hbm4b:s20+s1], $0x280, $0x38;
	[tilespmem:$0x18540] =	vst v63  }
0xfe: {  	_ =	swait.ge [sflag:s31], $0x280  }
0xff: {  	[sflag:s31] =	ssyncset.done $0x0  }
0x100: {  	[sflag:s31] =	ssyncadd.s32 $0xFFFFFD80  }
0x101: {  	[tilespmem:s13], [sflag:$0x1] =	stream.indirect.gather [hbm4b:s7+s12], $0x40, s11, s12, $0xb8;
	[tilespmem:$0x18540] =	vst v63  }
0x102: {  	s14 =	sadd.s32 $0x1, s14;
	_ =	swait.ge [sflag:s2], $0xA000  }
0x103: {  	p0 =	sne.s32 s14, s30;
	[sflag:s2] =	ssyncset.done $0x0  }
.Ltmp6:
0x104: {  	s21 =	rddreg [dreg:$0x13];
	[sflag:s2] =	ssyncadd.s32 $0xFFFF6000;
	(pc) =	sbr.rel @p0 .LBB2_1-.Ltmp6, $4  }
0x105: {  	[hbm4b:s21+s1] =	stream.linear.scatter [tilespmem:s13], [sflag:$0x2], $0xA000, $0x38;
	[tilespmem:$0x18540] =	vst v63  }
0x106: {  	_ =	swait.ge [sflag:s31], $0xA000  }
0x107: {  	[sflag:s31] =	ssyncset.done $0x0  }
0x108: {  	[sflag:s31] =	ssyncadd.s32 $0xFFFF6000  }
0x109: {  	_ =	sfence.sel $0x180000  }
0x10a: {  	[bflag:$0x0] =	sbarrier.arrive $0xFFFF  }
0x10b: {  	_ =	strace $0x90000047  }
0x10c: {  	s0 =	stileid.u32;
	[bflag:$0x2] =	sbarrier.arrive $0xFFFF  }
0x10d: {  	p0 =	sne.s32 s0, $0x0;
	s0 =	rddreg [dreg:$0x5]  }
0x10e: {  	s0 =	sadd.s32 @!p0 $0x100000, s0  }
0x10f: {  	[sflag:s0] =	ssyncadd.tile.s32 @!p0 $0x1;
	_ =	shalt  }
.Lfunc_end2:
_tile_overlayer_lowered:
.L_overlay_start_2:
0x110: {  	(tag) =	ssettag $0x2  }
0x111: {  	s0 =	rddreg [dreg:$0x0];
	s2 =	stileid.u32  }
0x112: {  	s1 =	rddreg [dreg:$0x1];
	p0 =	sne.s32 s2, $0x0  }
0x113: {  	s3 =	rddreg [dreg:$0x2];
	[bflag:$0x3] =	sbarrier.arrive $0xFFFF;
	s2 =	simm.s32 @!p0 $0x1C02  }
0x114: {  	[timem:s3], [sflag:s2] =	dma.local @!p0 [hbm:s0], s1  }
0x115: {  	s0 =	simm.s32 @!p0 $0x2  }
0x116: {  	_ =	swait.ge @!p0 [sflag:s0], s1  }
0x117: {  	s1 =	ssub.s32 @!p0 $0x0, s1;
	[sflag:s0] =	ssyncset.done @!p0 $0x0  }
0x118: {  	[sflag:s0] =	ssyncadd.s32 @!p0 s1  }
0x119: {  	[bflag:$0x3] =	sbarrier.arrive $0xFFFF  }
0x11a: {  	_ =	shalt  }

</sc_bundles>
